<compile_context>
chip_gen: v7x
topology: tpu7x:2x2x1
jax: 0.10.2.dev20260603
libtpu: 0.0.44.dev20260713+nightly
codegen_flags: <defaults>
</compile_context>

<pallas_src>
import functools

import jax
import jax.numpy as jnp
from jax import lax
from jax.experimental import pallas as pl
from jax.experimental.pallas import tpu as pltpu
from jax.experimental.pallas import tpu_sc as plsc

N_ITEMS = 1000000
D = 32
B = 16384
NK = 50
NW = 32
IDXW = 128
UI_ROWS = B // NW
KS_ROWS = (B * NK) // NW
KS_IROWS = KS_ROWS // IDXW
CHUNK = 512
N_CHUNK = KS_ROWS // CHUNK
RPC = CHUNK // IDXW
GROUPS = CHUNK // 16


def _sc_dists(i2, ks2, table):
    mesh = plsc.VectorSubcoreMesh(core_axis_name="c", subcore_axis_name="s")

    @functools.partial(
        pl.kernel,
        mesh=mesh,
        out_type=jax.ShapeDtypeStruct((B * NK,), jnp.float32),
        scratch_types=[
            pltpu.VMEM((UI_ROWS, D), jnp.float32),
            pltpu.VMEM((KS_IROWS, IDXW), jnp.int32),
            pltpu.VMEM((CHUNK, D), jnp.float32),
            pltpu.VMEM((CHUNK, D), jnp.float32),
            pltpu.VMEM((KS_ROWS,), jnp.float32),
            pltpu.SemaphoreType.DMA,
            pltpu.SemaphoreType.DMA,
            pltpu.SemaphoreType.DMA,
        ],
        compiler_params=pltpu.CompilerParams(
            use_tc_tiling_on_sc=False, needs_layout_passes=False
        ),
    )
    def k(i2_hbm, ks2_hbm, table_hbm, out_d, ui_v, idx_v, rows0, rows1,
          d_v, semu, sem0, sem1):
        wid = lax.axis_index("s") * 2 + lax.axis_index("c")
        lanes = lax.iota(jnp.int32, 16)
        zeros16 = jnp.zeros((16,), jnp.int32)

        pltpu.sync_copy(ks2_hbm.at[pl.ds(wid * KS_IROWS, KS_IROWS)], idx_v)
        pltpu.sync_copy(
            i2_hbm.at[pl.ds(wid * (UI_ROWS // IDXW), UI_ROWS // IDXW)],
            idx_v.at[pl.ds(0, UI_ROWS // IDXW)],
        )
        uicps = [
            pltpu.async_copy(
                table_hbm.at[idx_v.at[r]],
                ui_v.at[pl.ds(r * IDXW, IDXW)],
                semu,
            )
            for r in range(UI_ROWS // IDXW)
        ]
        for cp in uicps:
            cp.wait()
        pltpu.sync_copy(
            ks2_hbm.at[pl.ds(wid * KS_IROWS, UI_ROWS // IDXW)],
            idx_v.at[pl.ds(0, UI_ROWS // IDXW)],
        )
        def neg_body(r, carry):
            rvec = r * 16 + lanes
            c0 = plsc.load_gather(ui_v, [rvec, zeros16])
            plsc.store_scatter(ui_v, [rvec, zeros16], -c0)
            return carry

        lax.fori_loop(0, UI_ROWS // 16, neg_body, 0)

        def fire(c, rows, sem):
            for r in range(RPC):
                pltpu.async_copy(
                    table_hbm.at[idx_v.at[c * RPC + r]],
                    rows.at[pl.ds(r * IDXW, IDXW)],
                    sem,
                )

        def drain(rows, sem):
            pltpu.make_async_copy(
                table_hbm.at[pl.ds(0, CHUNK)], rows, sem
            ).wait()

        def compute(c, rows):
            def g_body(g, carry):
                bvec = (c * CHUNK + g * 16 + lanes) // NK
                dvec = jnp.zeros((16,), jnp.float32)
                for t in range(16):
                    p = g * 16 + t
                    b = bvec[t]
                    u0 = ui_v[b, 0:16]
                    u1 = ui_v[b, 16:32]
                    k0 = rows[p, 0:16]
                    k1 = rows[p, 16:32]
                    s = jnp.sum(k0 * u0 + k1 * u1)
                    dvec = jnp.where(lanes == t, s, dvec)
                d_v[pl.ds(c * CHUNK + g * 16, 16)] = -dvec
                return carry

            lax.fori_loop(0, GROUPS, g_body, 0)

        fire(0, rows0, sem0)

        def pair_body(i, carry):
            fire(2 * i + 1, rows1, sem1)
            drain(rows0, sem0)
            compute(2 * i, rows0)

            @pl.when(i < N_CHUNK // 2 - 1)
            def _():
                fire(2 * i + 2, rows0, sem0)

            drain(rows1, sem1)
            compute(2 * i + 1, rows1)
            return carry

        lax.fori_loop(0, N_CHUNK // 2, pair_body, 0)
        pltpu.sync_copy(d_v, out_d.at[pl.ds(wid * KS_ROWS, KS_ROWS)])

    return k(i2, ks2, table)


TBS = 2048


def _tc_body(d_ref, out_ref):
    d = jnp.maximum(d_ref[...], 1.0)
    dist = -jnp.log(d + jnp.sqrt(d * d - 1.0))
    lse = jnp.log(jnp.sum(jnp.exp(dist), axis=-1) + 1e-6)
    out_ref[...] = (lse - dist[:, 0])[None, None, :]


def _tc_loss(draw):
    grid = B // TBS
    out = pl.pallas_call(
        _tc_body,
        grid=(grid,),
        in_specs=[pl.BlockSpec((TBS, NK), lambda i: (i, 0))],
        out_specs=pl.BlockSpec((1, 1, TBS), lambda i: (i, 0, 0)),
        out_shape=jax.ShapeDtypeStruct((grid, 1, TBS), jnp.float32),
    )(draw)
    return out.reshape(B)


def kernel(I, Ks, table):
    i2 = I.astype(jnp.int32).reshape(B // IDXW, IDXW)
    ks2 = Ks.astype(jnp.int32).reshape((B * NK) // IDXW, IDXW)
    draw = _sc_dists(i2, ks2, table).reshape(B, NK)
    loss = _tc_loss(draw)
    return (loss, table)

# --- scband reference (transcript-rebuilt; emitter-appended) ---
"""Pipeline reference for scband-lorentz-60653528154653 (READ-ONLY COPY).

The authoritative reference and input builder live on the scoring server;
editing this copy changes nothing except your own understanding.
"""

import jax, jax.numpy as jnp
import numpy as np

N_ITEMS = 1000000
DIM = 32
B = 16384
N_KS = 50
INIT_RANGE = 0.001


def setup_inputs(seed: int = 0) -> dict:
    key = jax.random.key(seed)
    k1, k2, k3 = jax.random.split(key, 3)
    w = jax.random.uniform(k1, (N_ITEMS, DIM), dtype=jnp.float32,
                           minval=-INIT_RANGE, maxval=INIT_RANGE)
    dim0 = jnp.sqrt(1.0 + jnp.linalg.norm(w[:, 1:], axis=1))
    w = w.at[:, 0].set(dim0)
    I = jax.random.randint(k2, (B,), 0, N_ITEMS, dtype=jnp.int64 if jax.config.jax_enable_x64 else jnp.int32)
    Ks = jax.random.randint(k3, (B, N_KS), 0, N_ITEMS, dtype=jnp.int64 if jax.config.jax_enable_x64 else jnp.int32)
    return {"I": I, "Ks": Ks, "table": w}


def _arcosh(x):
    return jnp.log(x + jnp.sqrt(x ** 2 - 1))


def _lorentz_scalar_product(x, y):
    m = x * y
    return m[:, 1:].sum(axis=1) - m[:, 0]


def reference(I, Ks, table):
    n_ks = Ks.shape[1]
    ui = jnp.repeat(jnp.take(table, I, axis=0)[:, None, :], n_ks, axis=1)
    uks = jnp.take(table, Ks, axis=0)
    Bsz, N, D = ui.shape
    ui = ui.reshape(Bsz * N, D)
    uks = uks.reshape(Bsz * N, D)
    dists = -_lorentz_scalar_product(ui, uks)
    dists = jnp.where(dists < 1, jnp.ones_like(dists), dists)
    dists = -_arcosh(dists)
    dists = dists.reshape(Bsz, N)
    loss = -(dists[:, 0] - jnp.log(jnp.exp(dists).sum(axis=1) + 1e-06))
    return (loss, table)

if __name__ == "__main__":
    import jax
    _d = setup_inputs()
    print(jax.jit(kernel)(*tuple(_d.values())))

</pallas_src>

<mosaic_0001>
#map = affine_map<(d0, d1) -> (0, 0)>
#map1 = affine_map<(d0, d1) -> (0)>
module attributes {stable_mosaic.version = 14 : i64} {
  func.func @k(%arg0: i32, %arg1: i32, %arg2: memref<128x128xi32, #tpu.memory_space<hbm>>, %arg3: memref<6400x128xi32, #tpu.memory_space<hbm>>, %arg4: memref<1000000x32xf32, #tpu.memory_space<hbm>>, %arg5: memref<819200xf32, #tpu.memory_space<hbm>>, %arg6: memref<512x32xf32, #tpu.memory_space<vmem>>, %arg7: memref<200x128xi32, #tpu.memory_space<vmem>>, %arg8: memref<512x32xf32, #tpu.memory_space<vmem>>, %arg9: memref<512x32xf32, #tpu.memory_space<vmem>>, %arg10: memref<25600xf32, #tpu.memory_space<vmem>>, %arg11: memref<!tpu.dma_semaphore, #tpu.memory_space<semaphore_mem>>, %arg12: memref<!tpu.dma_semaphore, #tpu.memory_space<semaphore_mem>>, %arg13: memref<!tpu.dma_semaphore, #tpu.memory_space<semaphore_mem>>) attributes {dimension_semantics = [#tpu.dimension_semantics<core_parallel>, #tpu.dimension_semantics<subcore_parallel>], iteration_bounds = array<i64: 2, 16>, scalar_prefetch = 0 : i64, scratch_operands = 8 : i64, tpu.core_type = #tpu.core_type<sc_vector_subcore>, window_params = [{transform_indices = #map}, {transform_indices = #map}, {transform_indices = #map}, {transform_indices = #map1}]} {
    %mul3A = arith.constant 2 : i32
    %mul3A_0 = arith.muli %arg1, %mul3A : i32
    %add3A = arith.addi %mul3A_0, %arg0 : i32
    %iota3A = tpu.iota {dimensions = array<i32: 0>} : vector<16xi32>
    %broadcast_in_dim3A = arith.constant 0 : i32
    %broadcast_in_dim3A_1 = vector.broadcast %broadcast_in_dim3A : i32 to vector<16xi32>
    %mul3A_2 = arith.constant 200 : i32
    %mul3A_3 = arith.muli %add3A, %mul3A_2 : i32
    "tpu.region"() ({
      %run_scoped3A = tpu.sem_alloc : memref<!tpu.dma_semaphore, #tpu.memory_space<semaphore_mem>>
      %dma_start3A_139 = arith.constant 0 : i32
      %dma_start3A_140 = tpu.memref_slice %arg3[%mul3A_3, %dma_start3A_139] : memref<6400x128xi32, #tpu.memory_space<hbm>> -> memref<200x128xi32, #tpu.memory_space<hbm>>
      %dma_start3A_141 = arith.constant 0 : i32
      %dma_start3A_142 = tpu.memref_slice %arg3[%mul3A_3, %dma_start3A_141] : memref<6400x128xi32, #tpu.memory_space<hbm>> -> memref<200x128xi32, #tpu.memory_space<hbm>>
      tpu.enqueue_dma source(%dma_start3A_142 : memref<200x128xi32, #tpu.memory_space<hbm>>) target(%arg7 : memref<200x128xi32, #tpu.memory_space<vmem>>) target_semaphore(%run_scoped3A : memref<!tpu.dma_semaphore, #tpu.memory_space<semaphore_mem>>)
      %dma_wait3A_143 = arith.constant 0 : i32
      %dma_wait3A_144 = tpu.memref_slice %arg3[%mul3A_3, %dma_wait3A_143] : memref<6400x128xi32, #tpu.memory_space<hbm>> -> memref<200x128xi32, #tpu.memory_space<hbm>>
      %dma_wait3A_145 = arith.constant 0 : i32
      %dma_wait3A_146 = tpu.memref_slice %arg3[%mul3A_3, %dma_wait3A_145] : memref<6400x128xi32, #tpu.memory_space<hbm>> -> memref<200x128xi32, #tpu.memory_space<hbm>>
      tpu.wait_dma2 semaphore(%run_scoped3A : memref<!tpu.dma_semaphore, #tpu.memory_space<semaphore_mem>>) src(%dma_wait3A_146 : memref<200x128xi32, #tpu.memory_space<hbm>>) dst(%arg7 : memref<200x128xi32, #tpu.memory_space<vmem>>)
      tpu.yield
    }) : () -> ()
    %mul3A_4 = arith.constant 4 : i32
    %mul3A_5 = arith.muli %add3A, %mul3A_4 : i32
    "tpu.region"() ({
      %run_scoped3A = tpu.sem_alloc : memref<!tpu.dma_semaphore, #tpu.memory_space<semaphore_mem>>
      %dma_start3A_139 = arith.constant 0 : i32
      %dma_start3A_140 = arith.constant 0 : i32
      %dma_start3A_141 = tpu.memref_slice %arg7[%dma_start3A_139, %dma_start3A_140] : memref<200x128xi32, #tpu.memory_space<vmem>> -> memref<4x128xi32, #tpu.memory_space<vmem>>
      %dma_start3A_142 = arith.constant 0 : i32
      %dma_start3A_143 = tpu.memref_slice %arg2[%mul3A_5, %dma_start3A_142] : memref<128x128xi32, #tpu.memory_space<hbm>> -> memref<4x128xi32, #tpu.memory_space<hbm>>
      %dma_start3A_144 = arith.constant 0 : i32
      %dma_start3A_145 = arith.constant 0 : i32
      %dma_start3A_146 = tpu.memref_slice %arg7[%dma_start3A_144, %dma_start3A_145] : memref<200x128xi32, #tpu.memory_space<vmem>> -> memref<4x128xi32, #tpu.memory_space<vmem>>
      %dma_start3A_147 = arith.constant 0 : i32
      %dma_start3A_148 = tpu.memref_slice %arg2[%mul3A_5, %dma_start3A_147] : memref<128x128xi32, #tpu.memory_space<hbm>> -> memref<4x128xi32, #tpu.memory_space<hbm>>
      tpu.enqueue_dma source(%dma_start3A_148 : memref<4x128xi32, #tpu.memory_space<hbm>>) target(%dma_start3A_146 : memref<4x128xi32, #tpu.memory_space<vmem>>) target_semaphore(%run_scoped3A : memref<!tpu.dma_semaphore, #tpu.memory_space<semaphore_mem>>)
      %dma_wait3A_149 = arith.constant 0 : i32
      %dma_wait3A_150 = arith.constant 0 : i32
      %dma_wait3A_151 = tpu.memref_slice %arg7[%dma_wait3A_149, %dma_wait3A_150] : memref<200x128xi32, #tpu.memory_space<vmem>> -> memref<4x128xi32, #tpu.memory_space<vmem>>
      %dma_wait3A_152 = arith.constant 0 : i32
      %dma_wait3A_153 = tpu.memref_slice %arg2[%mul3A_5, %dma_wait3A_152] : memref<128x128xi32, #tpu.memory_space<hbm>> -> memref<4x128xi32, #tpu.memory_space<hbm>>
      %dma_wait3A_154 = arith.constant 0 : i32
      %dma_wait3A_155 = arith.constant 0 : i32
      %dma_wait3A_156 = tpu.memref_slice %arg7[%dma_wait3A_154, %dma_wait3A_155] : memref<200x128xi32, #tpu.memory_space<vmem>> -> memref<4x128xi32, #tpu.memory_space<vmem>>
      %dma_wait3A_157 = arith.constant 0 : i32
      %dma_wait3A_158 = tpu.memref_slice %arg2[%mul3A_5, %dma_wait3A_157] : memref<128x128xi32, #tpu.memory_space<hbm>> -> memref<4x128xi32, #tpu.memory_space<hbm>>
      tpu.wait_dma2 semaphore(%run_scoped3A : memref<!tpu.dma_semaphore, #tpu.memory_space<semaphore_mem>>) src(%dma_wait3A_158 : memref<4x128xi32, #tpu.memory_space<hbm>>) dst(%dma_wait3A_156 : memref<4x128xi32, #tpu.memory_space<vmem>>)
      tpu.yield
    }) : () -> ()
    %dma_start3A = arith.constant 0 : i32
    %dma_start3A_6 = arith.constant 0 : i32
    %dma_start3A_7 = arith.constant 0 : i32
    %dma_start3A_8 = tpu.memref_slice %arg6[%dma_start3A_6, %dma_start3A_7] : memref<512x32xf32, #tpu.memory_space<vmem>> -> memref<128x32xf32, #tpu.memory_space<vmem>>
    %dma_start3A_9 = arith.constant 0 : i32
    %dma_start3A_10 = tpu.memref_slice %arg7[%dma_start3A, %dma_start3A_9] : memref<200x128xi32, #tpu.memory_space<vmem>> -> memref<1x128xi32, #tpu.memory_space<vmem>>
    %dma_start3A_11 = tpu.memref_squeeze %dma_start3A_10 : memref<1x128xi32, #tpu.memory_space<vmem>> -> memref<128xi32, #tpu.memory_space<vmem>>
    %dma_start3A_12 = arith.constant 0 : i32
    %dma_start3A_13 = arith.constant 0 : i32
    %dma_start3A_14 = tpu.memref_slice %arg4[%dma_start3A_12, %dma_start3A_13] : memref<1000000x32xf32, #tpu.memory_space<hbm>> -> memref<1000000x32xf32, #tpu.memory_space<hbm>>
    tpu.enqueue_indirect_dma source(%dma_start3A_14 : memref<1000000x32xf32, #tpu.memory_space<hbm>>) target(%dma_start3A_8 : memref<128x32xf32, #tpu.memory_space<vmem>>) offsets(%dma_start3A_11 : memref<128xi32, #tpu.memory_space<vmem>>) semaphore(%arg11 : memref<!tpu.dma_semaphore, #tpu.memory_space<semaphore_mem>>)
    %dma_start3A_15 = arith.constant 1 : i32
    %dma_start3A_16 = arith.constant 128 : i32
    %dma_start3A_17 = arith.constant 0 : i32
    %dma_start3A_18 = tpu.memref_slice %arg6[%dma_start3A_16, %dma_start3A_17] : memref<512x32xf32, #tpu.memory_space<vmem>> -> memref<128x32xf32, #tpu.memory_space<vmem>>
    %dma_start3A_19 = arith.constant 0 : i32
    %dma_start3A_20 = tpu.memref_slice %arg7[%dma_start3A_15, %dma_start3A_19] : memref<200x128xi32, #tpu.memory_space<vmem>> -> memref<1x128xi32, #tpu.memory_space<vmem>>
    %dma_start3A_21 = tpu.memref_squeeze %dma_start3A_20 : memref<1x128xi32, #tpu.memory_space<vmem>> -> memref<128xi32, #tpu.memory_space<vmem>>
    %dma_start3A_22 = arith.constant 0 : i32
    %dma_start3A_23 = arith.constant 0 : i32
    %dma_start3A_24 = tpu.memref_slice %arg4[%dma_start3A_22, %dma_start3A_23] : memref<1000000x32xf32, #tpu.memory_space<hbm>> -> memref<1000000x32xf32, #tpu.memory_space<hbm>>
    tpu.enqueue_indirect_dma source(%dma_start3A_24 : memref<1000000x32xf32, #tpu.memory_space<hbm>>) target(%dma_start3A_18 : memref<128x32xf32, #tpu.memory_space<vmem>>) offsets(%dma_start3A_21 : memref<128xi32, #tpu.memory_space<vmem>>) semaphore(%arg11 : memref<!tpu.dma_semaphore, #tpu.memory_space<semaphore_mem>>)
    %dma_start3A_25 = arith.constant 2 : i32
    %dma_start3A_26 = arith.constant 256 : i32
    %dma_start3A_27 = arith.constant 0 : i32
    %dma_start3A_28 = tpu.memref_slice %arg6[%dma_start3A_26, %dma_start3A_27] : memref<512x32xf32, #tpu.memory_space<vmem>> -> memref<128x32xf32, #tpu.memory_space<vmem>>
    %dma_start3A_29 = arith.constant 0 : i32
    %dma_start3A_30 = tpu.memref_slice %arg7[%dma_start3A_25, %dma_start3A_29] : memref<200x128xi32, #tpu.memory_space<vmem>> -> memref<1x128xi32, #tpu.memory_space<vmem>>
    %dma_start3A_31 = tpu.memref_squeeze %dma_start3A_30 : memref<1x128xi32, #tpu.memory_space<vmem>> -> memref<128xi32, #tpu.memory_space<vmem>>
    %dma_start3A_32 = arith.constant 0 : i32
    %dma_start3A_33 = arith.constant 0 : i32
    %dma_start3A_34 = tpu.memref_slice %arg4[%dma_start3A_32, %dma_start3A_33] : memref<1000000x32xf32, #tpu.memory_space<hbm>> -> memref<1000000x32xf32, #tpu.memory_space<hbm>>
    tpu.enqueue_indirect_dma source(%dma_start3A_34 : memref<1000000x32xf32, #tpu.memory_space<hbm>>) target(%dma_start3A_28 : memref<128x32xf32, #tpu.memory_space<vmem>>) offsets(%dma_start3A_31 : memref<128xi32, #tpu.memory_space<vmem>>) semaphore(%arg11 : memref<!tpu.dma_semaphore, #tpu.memory_space<semaphore_mem>>)
    %dma_start3A_35 = arith.constant 3 : i32
    %dma_start3A_36 = arith.constant 384 : i32
    %dma_start3A_37 = arith.constant 0 : i32
    %dma_start3A_38 = tpu.memref_slice %arg6[%dma_start3A_36, %dma_start3A_37] : memref<512x32xf32, #tpu.memory_space<vmem>> -> memref<128x32xf32, #tpu.memory_space<vmem>>
    %dma_start3A_39 = arith.constant 0 : i32
    %dma_start3A_40 = tpu.memref_slice %arg7[%dma_start3A_35, %dma_start3A_39] : memref<200x128xi32, #tpu.memory_space<vmem>> -> memref<1x128xi32, #tpu.memory_space<vmem>>
    %dma_start3A_41 = tpu.memref_squeeze %dma_start3A_40 : memref<1x128xi32, #tpu.memory_space<vmem>> -> memref<128xi32, #tpu.memory_space<vmem>>
    %dma_start3A_42 = arith.constant 0 : i32
    %dma_start3A_43 = arith.constant 0 : i32
    %dma_start3A_44 = tpu.memref_slice %arg4[%dma_start3A_42, %dma_start3A_43] : memref<1000000x32xf32, #tpu.memory_space<hbm>> -> memref<1000000x32xf32, #tpu.memory_space<hbm>>
    tpu.enqueue_indirect_dma source(%dma_start3A_44 : memref<1000000x32xf32, #tpu.memory_space<hbm>>) target(%dma_start3A_38 : memref<128x32xf32, #tpu.memory_space<vmem>>) offsets(%dma_start3A_41 : memref<128xi32, #tpu.memory_space<vmem>>) semaphore(%arg11 : memref<!tpu.dma_semaphore, #tpu.memory_space<semaphore_mem>>)
    %dma_wait3A = arith.constant 0 : i32
    %dma_wait3A_45 = arith.constant 0 : i32
    %dma_wait3A_46 = arith.constant 0 : i32
    %dma_wait3A_47 = tpu.memref_slice %arg6[%dma_wait3A_45, %dma_wait3A_46] : memref<512x32xf32, #tpu.memory_space<vmem>> -> memref<128x32xf32, #tpu.memory_space<vmem>>
    %dma_wait3A_48 = arith.constant 0 : i32
    %dma_wait3A_49 = tpu.memref_slice %arg7[%dma_wait3A, %dma_wait3A_48] : memref<200x128xi32, #tpu.memory_space<vmem>> -> memref<1x128xi32, #tpu.memory_space<vmem>>
    %dma_wait3A_50 = tpu.memref_squeeze %dma_wait3A_49 : memref<1x128xi32, #tpu.memory_space<vmem>> -> memref<128xi32, #tpu.memory_space<vmem>>
    %dma_wait3A_51 = arith.constant 0 : i32
    %dma_wait3A_52 = arith.constant 0 : i32
    %dma_wait3A_53 = tpu.memref_slice %arg4[%dma_wait3A_51, %dma_wait3A_52] : memref<1000000x32xf32, #tpu.memory_space<hbm>> -> memref<1000000x32xf32, #tpu.memory_space<hbm>>
    tpu.wait_indirect_dma semaphore(%arg11 : memref<!tpu.dma_semaphore, #tpu.memory_space<semaphore_mem>>) src(%dma_wait3A_53 : memref<1000000x32xf32, #tpu.memory_space<hbm>>) dst(%dma_wait3A_47 : memref<128x32xf32, #tpu.memory_space<vmem>>)
    %dma_wait3A_54 = arith.constant 1 : i32
    %dma_wait3A_55 = arith.constant 128 : i32
    %dma_wait3A_56 = arith.constant 0 : i32
    %dma_wait3A_57 = tpu.memref_slice %arg6[%dma_wait3A_55, %dma_wait3A_56] : memref<512x32xf32, #tpu.memory_space<vmem>> -> memref<128x32xf32, #tpu.memory_space<vmem>>
    %dma_wait3A_58 = arith.constant 0 : i32
    %dma_wait3A_59 = tpu.memref_slice %arg7[%dma_wait3A_54, %dma_wait3A_58] : memref<200x128xi32, #tpu.memory_space<vmem>> -> memref<1x128xi32, #tpu.memory_space<vmem>>
    %dma_wait3A_60 = tpu.memref_squeeze %dma_wait3A_59 : memref<1x128xi32, #tpu.memory_space<vmem>> -> memref<128xi32, #tpu.memory_space<vmem>>
    %dma_wait3A_61 = arith.constant 0 : i32
    %dma_wait3A_62 = arith.constant 0 : i32
    %dma_wait3A_63 = tpu.memref_slice %arg4[%dma_wait3A_61, %dma_wait3A_62] : memref<1000000x32xf32, #tpu.memory_space<hbm>> -> memref<1000000x32xf32, #tpu.memory_space<hbm>>
    tpu.wait_indirect_dma semaphore(%arg11 : memref<!tpu.dma_semaphore, #tpu.memory_space<semaphore_mem>>) src(%dma_wait3A_63 : memref<1000000x32xf32, #tpu.memory_space<hbm>>) dst(%dma_wait3A_57 : memref<128x32xf32, #tpu.memory_space<vmem>>)
    %dma_wait3A_64 = arith.constant 2 : i32
    %dma_wait3A_65 = arith.constant 256 : i32
    %dma_wait3A_66 = arith.constant 0 : i32
    %dma_wait3A_67 = tpu.memref_slice %arg6[%dma_wait3A_65, %dma_wait3A_66] : memref<512x32xf32, #tpu.memory_space<vmem>> -> memref<128x32xf32, #tpu.memory_space<vmem>>
    %dma_wait3A_68 = arith.constant 0 : i32
    %dma_wait3A_69 = tpu.memref_slice %arg7[%dma_wait3A_64, %dma_wait3A_68] : memref<200x128xi32, #tpu.memory_space<vmem>> -> memref<1x128xi32, #tpu.memory_space<vmem>>
    %dma_wait3A_70 = tpu.memref_squeeze %dma_wait3A_69 : memref<1x128xi32, #tpu.memory_space<vmem>> -> memref<128xi32, #tpu.memory_space<vmem>>
    %dma_wait3A_71 = arith.constant 0 : i32
    %dma_wait3A_72 = arith.constant 0 : i32
    %dma_wait3A_73 = tpu.memref_slice %arg4[%dma_wait3A_71, %dma_wait3A_72] : memref<1000000x32xf32, #tpu.memory_space<hbm>> -> memref<1000000x32xf32, #tpu.memory_space<hbm>>
    tpu.wait_indirect_dma semaphore(%arg11 : memref<!tpu.dma_semaphore, #tpu.memory_space<semaphore_mem>>) src(%dma_wait3A_73 : memref<1000000x32xf32, #tpu.memory_space<hbm>>) dst(%dma_wait3A_67 : memref<128x32xf32, #tpu.memory_space<vmem>>)
    %dma_wait3A_74 = arith.constant 3 : i32
    %dma_wait3A_75 = arith.constant 384 : i32
    %dma_wait3A_76 = arith.constant 0 : i32
    %dma_wait3A_77 = tpu.memref_slice %arg6[%dma_wait3A_75, %dma_wait3A_76] : memref<512x32xf32, #tpu.memory_space<vmem>> -> memref<128x32xf32, #tpu.memory_space<vmem>>
    %dma_wait3A_78 = arith.constant 0 : i32
    %dma_wait3A_79 = tpu.memref_slice %arg7[%dma_wait3A_74, %dma_wait3A_78] : memref<200x128xi32, #tpu.memory_space<vmem>> -> memref<1x128xi32, #tpu.memory_space<vmem>>
    %dma_wait3A_80 = tpu.memref_squeeze %dma_wait3A_79 : memref<1x128xi32, #tpu.memory_space<vmem>> -> memref<128xi32, #tpu.memory_space<vmem>>
    %dma_wait3A_81 = arith.constant 0 : i32
    %dma_wait3A_82 = arith.constant 0 : i32
    %dma_wait3A_83 = tpu.memref_slice %arg4[%dma_wait3A_81, %dma_wait3A_82] : memref<1000000x32xf32, #tpu.memory_space<hbm>> -> memref<1000000x32xf32, #tpu.memory_space<hbm>>
    tpu.wait_indirect_dma semaphore(%arg11 : memref<!tpu.dma_semaphore, #tpu.memory_space<semaphore_mem>>) src(%dma_wait3A_83 : memref<1000000x32xf32, #tpu.memory_space<hbm>>) dst(%dma_wait3A_77 : memref<128x32xf32, #tpu.memory_space<vmem>>)
    %mul3A_84 = arith.constant 200 : i32
    %mul3A_85 = arith.muli %add3A, %mul3A_84 : i32
    "tpu.region"() ({
      %run_scoped3A = tpu.sem_alloc : memref<!tpu.dma_semaphore, #tpu.memory_space<semaphore_mem>>
      %dma_start3A_139 = arith.constant 0 : i32
      %dma_start3A_140 = arith.constant 0 : i32
      %dma_start3A_141 = tpu.memref_slice %arg7[%dma_start3A_139, %dma_start3A_140] : memref<200x128xi32, #tpu.memory_space<vmem>> -> memref<4x128xi32, #tpu.memory_space<vmem>>
      %dma_start3A_142 = arith.constant 0 : i32
      %dma_start3A_143 = tpu.memref_slice %arg3[%mul3A_85, %dma_start3A_142] : memref<6400x128xi32, #tpu.memory_space<hbm>> -> memref<4x128xi32, #tpu.memory_space<hbm>>
      %dma_start3A_144 = arith.constant 0 : i32
      %dma_start3A_145 = arith.constant 0 : i32
      %dma_start3A_146 = tpu.memref_slice %arg7[%dma_start3A_144, %dma_start3A_145] : memref<200x128xi32, #tpu.memory_space<vmem>> -> memref<4x128xi32, #tpu.memory_space<vmem>>
      %dma_start3A_147 = arith.constant 0 : i32
      %dma_start3A_148 = tpu.memref_slice %arg3[%mul3A_85, %dma_start3A_147] : memref<6400x128xi32, #tpu.memory_space<hbm>> -> memref<4x128xi32, #tpu.memory_space<hbm>>
      tpu.enqueue_dma source(%dma_start3A_148 : memref<4x128xi32, #tpu.memory_space<hbm>>) target(%dma_start3A_146 : memref<4x128xi32, #tpu.memory_space<vmem>>) target_semaphore(%run_scoped3A : memref<!tpu.dma_semaphore, #tpu.memory_space<semaphore_mem>>)
      %dma_wait3A_149 = arith.constant 0 : i32
      %dma_wait3A_150 = arith.constant 0 : i32
      %dma_wait3A_151 = tpu.memref_slice %arg7[%dma_wait3A_149, %dma_wait3A_150] : memref<200x128xi32, #tpu.memory_space<vmem>> -> memref<4x128xi32, #tpu.memory_space<vmem>>
      %dma_wait3A_152 = arith.constant 0 : i32
      %dma_wait3A_153 = tpu.memref_slice %arg3[%mul3A_85, %dma_wait3A_152] : memref<6400x128xi32, #tpu.memory_space<hbm>> -> memref<4x128xi32, #tpu.memory_space<hbm>>
      %dma_wait3A_154 = arith.constant 0 : i32
      %dma_wait3A_155 = arith.constant 0 : i32
      %dma_wait3A_156 = tpu.memref_slice %arg7[%dma_wait3A_154, %dma_wait3A_155] : memref<200x128xi32, #tpu.memory_space<vmem>> -> memref<4x128xi32, #tpu.memory_space<vmem>>
      %dma_wait3A_157 = arith.constant 0 : i32
      %dma_wait3A_158 = tpu.memref_slice %arg3[%mul3A_85, %dma_wait3A_157] : memref<6400x128xi32, #tpu.memory_space<hbm>> -> memref<4x128xi32, #tpu.memory_space<hbm>>
      tpu.wait_dma2 semaphore(%run_scoped3A : memref<!tpu.dma_semaphore, #tpu.memory_space<semaphore_mem>>) src(%dma_wait3A_158 : memref<4x128xi32, #tpu.memory_space<hbm>>) dst(%dma_wait3A_156 : memref<4x128xi32, #tpu.memory_space<vmem>>)
      tpu.yield
    }) : () -> ()
    %scan3A = arith.constant 0 : i32
    %scan3A_86 = arith.constant 0 : i32
    %scan3A_87 = arith.constant 32 : i32
    %scan3A_88 = arith.addi %scan3A_86, %scan3A_87 : i32
    %scan3A_89 = arith.constant 1 : i32
    scf.for %scan3A_139 = %scan3A_86 to %scan3A_88 step %scan3A_89  : i32 {
      %mul3A_140 = arith.constant 16 : i32
      %mul3A_141 = arith.muli %scan3A_139, %mul3A_140 : i32
      %add3A_142 = vector.broadcast %mul3A_141 : i32 to vector<16xi32>
      %add3A_143 = arith.addi %add3A_142, %iota3A : vector<16xi32>
      %gather3A = tpu.vector_load_idx %arg6[%add3A_143, %broadcast_in_dim3A_1] : memref<512x32xf32, #tpu.memory_space<vmem>>[vector<16xi32>, vector<16xi32>], vector<16xf32>,
      %neg3A = arith.constant 0.000000e+00 : f32
      %neg3A_144 = vector.broadcast %neg3A : f32 to vector<16xf32>
      %neg3A_145 = arith.subf %neg3A_144, %gather3A : vector<16xf32>
      tpu.vector_store_idx %arg6[%add3A_143, %broadcast_in_dim3A_1], %neg3A_145 : memref<512x32xf32, #tpu.memory_space<vmem>>[vector<16xi32>, vector<16xi32>], vector<16xf32>,
    }
    %scan3A_90 = arith.constant 32 : i32
    %dma_start3A_91 = arith.constant 0 : i32
    %dma_start3A_92 = arith.constant 0 : i32
    %dma_start3A_93 = arith.constant 0 : i32
    %dma_start3A_94 = tpu.memref_slice %arg8[%dma_start3A_92, %dma_start3A_93] : memref<512x32xf32, #tpu.memory_space<vmem>> -> memref<128x32xf32, #tpu.memory_space<vmem>>
    %dma_start3A_95 = arith.constant 0 : i32
    %dma_start3A_96 = tpu.memref_slice %arg7[%dma_start3A_91, %dma_start3A_95] : memref<200x128xi32, #tpu.memory_space<vmem>> -> memref<1x128xi32, #tpu.memory_space<vmem>>
    %dma_start3A_97 = tpu.memref_squeeze %dma_start3A_96 : memref<1x128xi32, #tpu.memory_space<vmem>> -> memref<128xi32, #tpu.memory_space<vmem>>
    %dma_start3A_98 = arith.constant 0 : i32
    %dma_start3A_99 = arith.constant 0 : i32
    %dma_start3A_100 = tpu.memref_slice %arg4[%dma_start3A_98, %dma_start3A_99] : memref<1000000x32xf32, #tpu.memory_space<hbm>> -> memref<1000000x32xf32, #tpu.memory_space<hbm>>
    tpu.enqueue_indirect_dma source(%dma_start3A_100 : memref<1000000x32xf32, #tpu.memory_space<hbm>>) target(%dma_start3A_94 : memref<128x32xf32, #tpu.memory_space<vmem>>) offsets(%dma_start3A_97 : memref<128xi32, #tpu.memory_space<vmem>>) semaphore(%arg12 : memref<!tpu.dma_semaphore, #tpu.memory_space<semaphore_mem>>)
    %dma_start3A_101 = arith.constant 1 : i32
    %dma_start3A_102 = arith.constant 128 : i32
    %dma_start3A_103 = arith.constant 0 : i32
    %dma_start3A_104 = tpu.memref_slice %arg8[%dma_start3A_102, %dma_start3A_103] : memref<512x32xf32, #tpu.memory_space<vmem>> -> memref<128x32xf32, #tpu.memory_space<vmem>>
    %dma_start3A_105 = arith.constant 0 : i32
    %dma_start3A_106 = tpu.memref_slice %arg7[%dma_start3A_101, %dma_start3A_105] : memref<200x128xi32, #tpu.memory_space<vmem>> -> memref<1x128xi32, #tpu.memory_space<vmem>>
    %dma_start3A_107 = tpu.memref_squeeze %dma_start3A_106 : memref<1x128xi32, #tpu.memory_space<vmem>> -> memref<128xi32, #tpu.memory_space<vmem>>
    %dma_start3A_108 = arith.constant 0 : i32
    %dma_start3A_109 = arith.constant 0 : i32
    %dma_start3A_110 = tpu.memref_slice %arg4[%dma_start3A_108, %dma_start3A_109] : memref<1000000x32xf32, #tpu.memory_space<hbm>> -> memref<1000000x32xf32, #tpu.memory_space<hbm>>
    tpu.enqueue_indirect_dma source(%dma_start3A_110 : memref<1000000x32xf32, #tpu.memory_space<hbm>>) target(%dma_start3A_104 : memref<128x32xf32, #tpu.memory_space<vmem>>) offsets(%dma_start3A_107 : memref<128xi32, #tpu.memory_space<vmem>>) semaphore(%arg12 : memref<!tpu.dma_semaphore, #tpu.memory_space<semaphore_mem>>)
    %dma_start3A_111 = arith.constant 2 : i32
    %dma_start3A_112 = arith.constant 256 : i32
    %dma_start3A_113 = arith.constant 0 : i32
    %dma_start3A_114 = tpu.memref_slice %arg8[%dma_start3A_112, %dma_start3A_113] : memref<512x32xf32, #tpu.memory_space<vmem>> -> memref<128x32xf32, #tpu.memory_space<vmem>>
    %dma_start3A_115 = arith.constant 0 : i32
    %dma_start3A_116 = tpu.memref_slice %arg7[%dma_start3A_111, %dma_start3A_115] : memref<200x128xi32, #tpu.memory_space<vmem>> -> memref<1x128xi32, #tpu.memory_space<vmem>>
    %dma_start3A_117 = tpu.memref_squeeze %dma_start3A_116 : memref<1x128xi32, #tpu.memory_space<vmem>> -> memref<128xi32, #tpu.memory_space<vmem>>
    %dma_start3A_118 = arith.constant 0 : i32
    %dma_start3A_119 = arith.constant 0 : i32
    %dma_start3A_120 = tpu.memref_slice %arg4[%dma_start3A_118, %dma_start3A_119] : memref<1000000x32xf32, #tpu.memory_space<hbm>> -> memref<1000000x32xf32, #tpu.memory_space<hbm>>
    tpu.enqueue_indirect_dma source(%dma_start3A_120 : memref<1000000x32xf32, #tpu.memory_space<hbm>>) target(%dma_start3A_114 : memref<128x32xf32, #tpu.memory_space<vmem>>) offsets(%dma_start3A_117 : memref<128xi32, #tpu.memory_space<vmem>>) semaphore(%arg12 : memref<!tpu.dma_semaphore, #tpu.memory_space<semaphore_mem>>)
    %dma_start3A_121 = arith.constant 3 : i32
    %dma_start3A_122 = arith.constant 384 : i32
    %dma_start3A_123 = arith.constant 0 : i32
    %dma_start3A_124 = tpu.memref_slice %arg8[%dma_start3A_122, %dma_start3A_123] : memref<512x32xf32, #tpu.memory_space<vmem>> -> memref<128x32xf32, #tpu.memory_space<vmem>>
    %dma_start3A_125 = arith.constant 0 : i32
    %dma_start3A_126 = tpu.memref_slice %arg7[%dma_start3A_121, %dma_start3A_125] : memref<200x128xi32, #tpu.memory_space<vmem>> -> memref<1x128xi32, #tpu.memory_space<vmem>>
    %dma_start3A_127 = tpu.memref_squeeze %dma_start3A_126 : memref<1x128xi32, #tpu.memory_space<vmem>> -> memref<128xi32, #tpu.memory_space<vmem>>
    %dma_start3A_128 = arith.constant 0 : i32
    %dma_start3A_129 = arith.constant 0 : i32
    %dma_start3A_130 = tpu.memref_slice %arg4[%dma_start3A_128, %dma_start3A_129] : memref<1000000x32xf32, #tpu.memory_space<hbm>> -> memref<1000000x32xf32, #tpu.memory_space<hbm>>
    tpu.enqueue_indirect_dma source(%dma_start3A_130 : memref<1000000x32xf32, #tpu.memory_space<hbm>>) target(%dma_start3A_124 : memref<128x32xf32, #tpu.memory_space<vmem>>) offsets(%dma_start3A_127 : memref<128xi32, #tpu.memory_space<vmem>>) semaphore(%arg12 : memref<!tpu.dma_semaphore, #tpu.memory_space<semaphore_mem>>)
    %scan3A_131 = arith.constant 0 : i32
    %scan3A_132 = arith.constant 0 : i32
    %scan3A_133 = arith.constant 25 : i32
    %scan3A_134 = arith.addi %scan3A_132, %scan3A_133 : i32
    %scan3A_135 = arith.constant 1 : i32
    scf.for %scan3A_139 = %scan3A_132 to %scan3A_134 step %scan3A_135  : i32 {
      %mul3A_140 = arith.constant 2 : i32
      %mul3A_141 = arith.muli %mul3A_140, %scan3A_139 : i32
      %add3A_142 = arith.constant 1 : i32
      %add3A_143 = arith.addi %mul3A_141, %add3A_142 : i32
      %mul3A_144 = arith.constant 4 : i32
      %mul3A_145 = arith.muli %add3A_143, %mul3A_144 : i32
      %add3A_146 = arith.constant 0 : i32
      %add3A_147 = arith.addi %mul3A_145, %add3A_146 : i32
      %dma_start3A_148 = arith.constant 0 : i32
      %dma_start3A_149 = arith.constant 0 : i32
      %dma_start3A_150 = tpu.memref_slice %arg9[%dma_start3A_148, %dma_start3A_149] : memref<512x32xf32, #tpu.memory_space<vmem>> -> memref<128x32xf32, #tpu.memory_space<vmem>>
      %dma_start3A_151 = arith.constant 0 : i32
      %dma_start3A_152 = tpu.memref_slice %arg7[%add3A_147, %dma_start3A_151] : memref<200x128xi32, #tpu.memory_space<vmem>> -> memref<1x128xi32, #tpu.memory_space<vmem>>
      %dma_start3A_153 = tpu.memref_squeeze %dma_start3A_152 : memref<1x128xi32, #tpu.memory_space<vmem>> -> memref<128xi32, #tpu.memory_space<vmem>>
      %dma_start3A_154 = arith.constant 0 : i32
      %dma_start3A_155 = arith.constant 0 : i32
      %dma_start3A_156 = tpu.memref_slice %arg4[%dma_start3A_154, %dma_start3A_155] : memref<1000000x32xf32, #tpu.memory_space<hbm>> -> memref<1000000x32xf32, #tpu.memory_space<hbm>>
      tpu.enqueue_indirect_dma source(%dma_start3A_156 : memref<1000000x32xf32, #tpu.memory_space<hbm>>) target(%dma_start3A_150 : memref<128x32xf32, #tpu.memory_space<vmem>>) offsets(%dma_start3A_153 : memref<128xi32, #tpu.memory_space<vmem>>) semaphore(%arg13 : memref<!tpu.dma_semaphore, #tpu.memory_space<semaphore_mem>>)
      %mul3A_157 = arith.constant 4 : i32
      %mul3A_158 = arith.muli %add3A_143, %mul3A_157 : i32
      %add3A_159 = arith.constant 1 : i32
      %add3A_160 = arith.addi %mul3A_158, %add3A_159 : i32
      %dma_start3A_161 = arith.constant 128 : i32
      %dma_start3A_162 = arith.constant 0 : i32
      %dma_start3A_163 = tpu.memref_slice %arg9[%dma_start3A_161, %dma_start3A_162] : memref<512x32xf32, #tpu.memory_space<vmem>> -> memref<128x32xf32, #tpu.memory_space<vmem>>
      %dma_start3A_164 = arith.constant 0 : i32
      %dma_start3A_165 = tpu.memref_slice %arg7[%add3A_160, %dma_start3A_164] : memref<200x128xi32, #tpu.memory_space<vmem>> -> memref<1x128xi32, #tpu.memory_space<vmem>>
      %dma_start3A_166 = tpu.memref_squeeze %dma_start3A_165 : memref<1x128xi32, #tpu.memory_space<vmem>> -> memref<128xi32, #tpu.memory_space<vmem>>
      %dma_start3A_167 = arith.constant 0 : i32
      %dma_start3A_168 = arith.constant 0 : i32
      %dma_start3A_169 = tpu.memref_slice %arg4[%dma_start3A_167, %dma_start3A_168] : memref<1000000x32xf32, #tpu.memory_space<hbm>> -> memref<1000000x32xf32, #tpu.memory_space<hbm>>
      tpu.enqueue_indirect_dma source(%dma_start3A_169 : memref<1000000x32xf32, #tpu.memory_space<hbm>>) target(%dma_start3A_163 : memref<128x32xf32, #tpu.memory_space<vmem>>) offsets(%dma_start3A_166 : memref<128xi32, #tpu.memory_space<vmem>>) semaphore(%arg13 : memref<!tpu.dma_semaphore, #tpu.memory_space<semaphore_mem>>)
      %mul3A_170 = arith.constant 4 : i32
      %mul3A_171 = arith.muli %add3A_143, %mul3A_170 : i32
      %add3A_172 = arith.constant 2 : i32
      %add3A_173 = arith.addi %mul3A_171, %add3A_172 : i32
      %dma_start3A_174 = arith.constant 256 : i32
      %dma_start3A_175 = arith.constant 0 : i32
      %dma_start3A_176 = tpu.memref_slice %arg9[%dma_start3A_174, %dma_start3A_175] : memref<512x32xf32, #tpu.memory_space<vmem>> -> memref<128x32xf32, #tpu.memory_space<vmem>>
      %dma_start3A_177 = arith.constant 0 : i32
      %dma_start3A_178 = tpu.memref_slice %arg7[%add3A_173, %dma_start3A_177] : memref<200x128xi32, #tpu.memory_space<vmem>> -> memref<1x128xi32, #tpu.memory_space<vmem>>
      %dma_start3A_179 = tpu.memref_squeeze %dma_start3A_178 : memref<1x128xi32, #tpu.memory_space<vmem>> -> memref<128xi32, #tpu.memory_space<vmem>>
      %dma_start3A_180 = arith.constant 0 : i32
      %dma_start3A_181 = arith.constant 0 : i32
      %dma_start3A_182 = tpu.memref_slice %arg4[%dma_start3A_180, %dma_start3A_181] : memref<1000000x32xf32, #tpu.memory_space<hbm>> -> memref<1000000x32xf32, #tpu.memory_space<hbm>>
      tpu.enqueue_indirect_dma source(%dma_start3A_182 : memref<1000000x32xf32, #tpu.memory_space<hbm>>) target(%dma_start3A_176 : memref<128x32xf32, #tpu.memory_space<vmem>>) offsets(%dma_start3A_179 : memref<128xi32, #tpu.memory_space<vmem>>) semaphore(%arg13 : memref<!tpu.dma_semaphore, #tpu.memory_space<semaphore_mem>>)
      %mul3A_183 = arith.constant 4 : i32
      %mul3A_184 = arith.muli %add3A_143, %mul3A_183 : i32
      %add3A_185 = arith.constant 3 : i32
      %add3A_186 = arith.addi %mul3A_184, %add3A_185 : i32
      %dma_start3A_187 = arith.constant 384 : i32
      %dma_start3A_188 = arith.constant 0 : i32
      %dma_start3A_189 = tpu.memref_slice %arg9[%dma_start3A_187, %dma_start3A_188] : memref<512x32xf32, #tpu.memory_space<vmem>> -> memref<128x32xf32, #tpu.memory_space<vmem>>
      %dma_start3A_190 = arith.constant 0 : i32
      %dma_start3A_191 = tpu.memref_slice %arg7[%add3A_186, %dma_start3A_190] : memref<200x128xi32, #tpu.memory_space<vmem>> -> memref<1x128xi32, #tpu.memory_space<vmem>>
      %dma_start3A_192 = tpu.memref_squeeze %dma_start3A_191 : memref<1x128xi32, #tpu.memory_space<vmem>> -> memref<128xi32, #tpu.memory_space<vmem>>
      %dma_start3A_193 = arith.constant 0 : i32
      %dma_start3A_194 = arith.constant 0 : i32
      %dma_start3A_195 = tpu.memref_slice %arg4[%dma_start3A_193, %dma_start3A_194] : memref<1000000x32xf32, #tpu.memory_space<hbm>> -> memref<1000000x32xf32, #tpu.memory_space<hbm>>
      tpu.enqueue_indirect_dma source(%dma_start3A_195 : memref<1000000x32xf32, #tpu.memory_space<hbm>>) target(%dma_start3A_189 : memref<128x32xf32, #tpu.memory_space<vmem>>) offsets(%dma_start3A_192 : memref<128xi32, #tpu.memory_space<vmem>>) semaphore(%arg13 : memref<!tpu.dma_semaphore, #tpu.memory_space<semaphore_mem>>)
      %dma_wait3A_196 = arith.constant 0 : i32
      %dma_wait3A_197 = arith.constant 0 : i32
      %dma_wait3A_198 = tpu.memref_slice %arg4[%dma_wait3A_196, %dma_wait3A_197] : memref<1000000x32xf32, #tpu.memory_space<hbm>> -> memref<512x32xf32, #tpu.memory_space<hbm>>
      %dma_wait3A_199 = arith.constant 0 : i32
      %dma_wait3A_200 = arith.constant 0 : i32
      %dma_wait3A_201 = tpu.memref_slice %arg4[%dma_wait3A_199, %dma_wait3A_200] : memref<1000000x32xf32, #tpu.memory_space<hbm>> -> memref<512x32xf32, #tpu.memory_space<hbm>>
      tpu.wait_dma2 semaphore(%arg12 : memref<!tpu.dma_semaphore, #tpu.memory_space<semaphore_mem>>) src(%dma_wait3A_201 : memref<512x32xf32, #tpu.memory_space<hbm>>) dst(%arg8 : memref<512x32xf32, #tpu.memory_space<vmem>>)
      %mul3A_202 = arith.constant 2 : i32
      %mul3A_203 = arith.muli %mul3A_202, %scan3A_139 : i32
      %scan3A_204 = arith.constant 0 : i32
      %scan3A_205 = arith.constant 0 : i32
      %scan3A_206 = arith.constant 32 : i32
      %scan3A_207 = arith.addi %scan3A_205, %scan3A_206 : i32
      %scan3A_208 = arith.constant 1 : i32
      scf.for %scan3A_228 = %scan3A_205 to %scan3A_207 step %scan3A_208  : i32 {
        %mul3A_229 = arith.constant 512 : i32
        %mul3A_230 = arith.muli %mul3A_203, %mul3A_229 : i32
        %mul3A_231 = arith.constant 16 : i32
        %mul3A_232 = arith.muli %scan3A_228, %mul3A_231 : i32
        %add3A_233 = arith.addi %mul3A_230, %mul3A_232 : i32
        %add3A_234 = vector.broadcast %add3A_233 : i32 to vector<16xi32>
        %add3A_235 = arith.addi %add3A_234, %iota3A : vector<16xi32>
        %jit3A = arith.constant 50 : i32
        %div3A = vector.broadcast %jit3A : i32 to vector<16xi32>
        %div3A_236 = arith.divsi %add3A_235, %div3A : vector<16xi32>
        %sign3A = arith.constant 0 : i32
        %sign3A_237 = vector.broadcast %sign3A : i32 to vector<16xi32>
        %sign3A_238 = arith.cmpi sgt, %add3A_235, %sign3A_237 : vector<16xi32>
        %sign3A_239 = arith.extui %sign3A_238 : vector<16xi1> to vector<16xi32>
        %sign3A_240 = arith.constant 0 : i32
        %sign3A_241 = vector.broadcast %sign3A_240 : i32 to vector<16xi32>
        %sign3A_242 = arith.cmpi slt, %add3A_235, %sign3A_241 : vector<16xi32>
        %sign3A_243 = arith.extui %sign3A_242 : vector<16xi1> to vector<16xi32>
        %sign3A_244 = arith.subi %sign3A_239, %sign3A_243 : vector<16xi32>
        %sign3A_245 = arith.constant 0 : i32
        %sign3A_246 = arith.cmpi sgt, %jit3A, %sign3A_245 : i32
        %sign3A_247 = arith.extui %sign3A_246 : i1 to i32
        %sign3A_248 = arith.constant 0 : i32
        %sign3A_249 = arith.cmpi slt, %jit3A, %sign3A_248 : i32
        %sign3A_250 = arith.extui %sign3A_249 : i1 to i32
        %sign3A_251 = arith.subi %sign3A_247, %sign3A_250 : i32
        %ne3A = vector.broadcast %sign3A_251 : i32 to vector<16xi32>
        %ne3A_252 = arith.cmpi ne, %sign3A_244, %ne3A : vector<16xi32>
        %rem3A = vector.broadcast %jit3A : i32 to vector<16xi32>
        %rem3A_253 = arith.remsi %add3A_235, %rem3A : vector<16xi32>
        %ne3A_254 = arith.constant 0 : i32
        %ne3A_255 = vector.broadcast %ne3A_254 : i32 to vector<16xi32>
        %ne3A_256 = arith.cmpi ne, %rem3A_253, %ne3A_255 : vector<16xi32>
        %and3A = arith.andi %ne3A_252, %ne3A_256 : vector<16xi1>
        %sub3A = arith.constant 1 : i32
        %sub3A_257 = vector.broadcast %sub3A : i32 to vector<16xi32>
        %sub3A_258 = arith.subi %div3A_236, %sub3A_257 : vector<16xi32>
        %select_n3A = arith.select %and3A, %sub3A_258, %div3A_236 : vector<16xi1>, vector<16xi32>
        %broadcast_in_dim3A_259 = arith.constant 0.000000e+00 : f32
        %broadcast_in_dim3A_260 = vector.broadcast %broadcast_in_dim3A_259 : f32 to vector<16xf32>
        %mul3A_261 = arith.constant 16 : i32
        %mul3A_262 = arith.muli %scan3A_228, %mul3A_261 : i32
        %add3A_263 = arith.constant 0 : i32
        %add3A_264 = arith.addi %mul3A_262, %add3A_263 : i32
        %slice3A = vector.extract_strided_slice %select_n3A {offsets = [0], sizes = [1], strides = [1]} : vector<16xi32> to vector<1xi32>
        %squeeze3A = vector.extract %slice3A[0] : i32 from vector<1xi32>
        %get3A = arith.index_cast %squeeze3A : i32 to index
        %get3A_265 = arith.constant 0 : index
        %get3A_266 = tpu.vector_load %arg6[%get3A, %get3A_265] {strides = array<i32>} : memref<512x32xf32, #tpu.memory_space<vmem>>, vector<16xf32>,
        %get3A_267 = arith.index_cast %squeeze3A : i32 to index
        %get3A_268 = arith.constant 16 : index
        %get3A_269 = tpu.vector_load %arg6[%get3A_267, %get3A_268] {strides = array<i32>} : memref<512x32xf32, #tpu.memory_space<vmem>>, vector<16xf32>,
        %get3A_270 = arith.index_cast %add3A_264 : i32 to index
        %get3A_271 = arith.constant 0 : index
        %get3A_272 = tpu.vector_load %arg8[%get3A_270, %get3A_271] {strides = array<i32>} : memref<512x32xf32, #tpu.memory_space<vmem>>, vector<16xf32>,
        %get3A_273 = arith.index_cast %add3A_264 : i32 to index
        %get3A_274 = arith.constant 16 : index
        %get3A_275 = tpu.vector_load %arg8[%get3A_273, %get3A_274] {strides = array<i32>} : memref<512x32xf32, #tpu.memory_space<vmem>>, vector<16xf32>,
        %mul3A_276 = arith.mulf %get3A_272, %get3A_266 : vector<16xf32>
        %mul3A_277 = arith.mulf %get3A_275, %get3A_269 : vector<16xf32>
        %add3A_278 = arith.addf %mul3A_276, %mul3A_277 : vector<16xf32>
        %reduce_sum3A = arith.constant true
        %reduce_sum3A_279 = vector.broadcast %reduce_sum3A : i1 to vector<16xi1>
        %reduce_sum3A_280 = tpu.scan <sum>, %add3A_278 masked %reduce_sum3A_279 : vector<16xf32>, vector<16xi1> -> vector<16xf32>
        %reduce_sum3A_281 = vector.extract %reduce_sum3A_280[15] : f32 from vector<16xf32>
        %eq3A = arith.constant 0 : i32
        %eq3A_282 = vector.broadcast %eq3A : i32 to vector<16xi32>
        %eq3A_283 = arith.cmpi eq, %iota3A, %eq3A_282 : vector<16xi32>
        %broadcast_in_dim3A_284 = vector.broadcast %reduce_sum3A_281 : f32 to vector<16xf32>
        %select_n3A_285 = arith.select %eq3A_283, %broadcast_in_dim3A_284, %broadcast_in_dim3A_260 : vector<16xi1>, vector<16xf32>
        %mul3A_286 = arith.constant 16 : i32
        %mul3A_287 = arith.muli %scan3A_228, %mul3A_286 : i32
        %add3A_288 = arith.constant 1 : i32
        %add3A_289 = arith.addi %mul3A_287, %add3A_288 : i32
        %slice3A_290 = vector.extract_strided_slice %select_n3A {offsets = [1], sizes = [1], strides = [1]} : vector<16xi32> to vector<1xi32>
        %squeeze3A_291 = vector.extract %slice3A_290[0] : i32 from vector<1xi32>
        %get3A_292 = arith.index_cast %squeeze3A_291 : i32 to index
        %get3A_293 = arith.constant 0 : index
        %get3A_294 = tpu.vector_load %arg6[%get3A_292, %get3A_293] {strides = array<i32>} : memref<512x32xf32, #tpu.memory_space<vmem>>, vector<16xf32>,
        %get3A_295 = arith.index_cast %squeeze3A_291 : i32 to index
        %get3A_296 = arith.constant 16 : index
        %get3A_297 = tpu.vector_load %arg6[%get3A_295, %get3A_296] {strides = array<i32>} : memref<512x32xf32, #tpu.memory_space<vmem>>, vector<16xf32>,
        %get3A_298 = arith.index_cast %add3A_289 : i32 to index
        %get3A_299 = arith.constant 0 : index
        %get3A_300 = tpu.vector_load %arg8[%get3A_298, %get3A_299] {strides = array<i32>} : memref<512x32xf32, #tpu.memory_space<vmem>>, vector<16xf32>,
        %get3A_301 = arith.index_cast %add3A_289 : i32 to index
        %get3A_302 = arith.constant 16 : index
        %get3A_303 = tpu.vector_load %arg8[%get3A_301, %get3A_302] {strides = array<i32>} : memref<512x32xf32, #tpu.memory_space<vmem>>, vector<16xf32>,
        %mul3A_304 = arith.mulf %get3A_300, %get3A_294 : vector<16xf32>
        %mul3A_305 = arith.mulf %get3A_303, %get3A_297 : vector<16xf32>
        %add3A_306 = arith.addf %mul3A_304, %mul3A_305 : vector<16xf32>
        %reduce_sum3A_307 = arith.constant true
        %reduce_sum3A_308 = vector.broadcast %reduce_sum3A_307 : i1 to vector<16xi1>
        %reduce_sum3A_309 = tpu.scan <sum>, %add3A_306 masked %reduce_sum3A_308 : vector<16xf32>, vector<16xi1> -> vector<16xf32>
        %reduce_sum3A_310 = vector.extract %reduce_sum3A_309[15] : f32 from vector<16xf32>
        %eq3A_311 = arith.constant 1 : i32
        %eq3A_312 = vector.broadcast %eq3A_311 : i32 to vector<16xi32>
        %eq3A_313 = arith.cmpi eq, %iota3A, %eq3A_312 : vector<16xi32>
        %broadcast_in_dim3A_314 = vector.broadcast %reduce_sum3A_310 : f32 to vector<16xf32>
        %select_n3A_315 = arith.select %eq3A_313, %broadcast_in_dim3A_314, %select_n3A_285 : vector<16xi1>, vector<16xf32>
        %mul3A_316 = arith.constant 16 : i32
        %mul3A_317 = arith.muli %scan3A_228, %mul3A_316 : i32
        %add3A_318 = arith.constant 2 : i32
        %add3A_319 = arith.addi %mul3A_317, %add3A_318 : i32
        %slice3A_320 = vector.extract_strided_slice %select_n3A {offsets = [2], sizes = [1], strides = [1]} : vector<16xi32> to vector<1xi32>
        %squeeze3A_321 = vector.extract %slice3A_320[0] : i32 from vector<1xi32>
        %get3A_322 = arith.index_cast %squeeze3A_321 : i32 to index
        %get3A_323 = arith.constant 0 : index
        %get3A_324 = tpu.vector_load %arg6[%get3A_322, %get3A_323] {strides = array<i32>} : memref<512x32xf32, #tpu.memory_space<vmem>>, vector<16xf32>,
        %get3A_325 = arith.index_cast %squeeze3A_321 : i32 to index
        %get3A_326 = arith.constant 16 : index
        %get3A_327 = tpu.vector_load %arg6[%get3A_325, %get3A_326] {strides = array<i32>} : memref<512x32xf32, #tpu.memory_space<vmem>>, vector<16xf32>,
        %get3A_328 = arith.index_cast %add3A_319 : i32 to index
        %get3A_329 = arith.constant 0 : index
        %get3A_330 = tpu.vector_load %arg8[%get3A_328, %get3A_329] {strides = array<i32>} : memref<512x32xf32, #tpu.memory_space<vmem>>, vector<16xf32>,
        %get3A_331 = arith.index_cast %add3A_319 : i32 to index
        %get3A_332 = arith.constant 16 : index
        %get3A_333 = tpu.vector_load %arg8[%get3A_331, %get3A_332] {strides = array<i32>} : memref<512x32xf32, #tpu.memory_space<vmem>>, vector<16xf32>,
        %mul3A_334 = arith.mulf %get3A_330, %get3A_324 : vector<16xf32>
        %mul3A_335 = arith.mulf %get3A_333, %get3A_327 : vector<16xf32>
        %add3A_336 = arith.addf %mul3A_334, %mul3A_335 : vector<16xf32>
        %reduce_sum3A_337 = arith.constant true
        %reduce_sum3A_338 = vector.broadcast %reduce_sum3A_337 : i1 to vector<16xi1>
        %reduce_sum3A_339 = tpu.scan <sum>, %add3A_336 masked %reduce_sum3A_338 : vector<16xf32>, vector<16xi1> -> vector<16xf32>
        %reduce_sum3A_340 = vector.extract %reduce_sum3A_339[15] : f32 from vector<16xf32>
        %eq3A_341 = arith.constant 2 : i32
        %eq3A_342 = vector.broadcast %eq3A_341 : i32 to vector<16xi32>
        %eq3A_343 = arith.cmpi eq, %iota3A, %eq3A_342 : vector<16xi32>
        %broadcast_in_dim3A_344 = vector.broadcast %reduce_sum3A_340 : f32 to vector<16xf32>
        %select_n3A_345 = arith.select %eq3A_343, %broadcast_in_dim3A_344, %select_n3A_315 : vector<16xi1>, vector<16xf32>
        %mul3A_346 = arith.constant 16 : i32
        %mul3A_347 = arith.muli %scan3A_228, %mul3A_346 : i32
        %add3A_348 = arith.constant 3 : i32
        %add3A_349 = arith.addi %mul3A_347, %add3A_348 : i32
        %slice3A_350 = vector.extract_strided_slice %select_n3A {offsets = [3], sizes = [1], strides = [1]} : vector<16xi32> to vector<1xi32>
        %squeeze3A_351 = vector.extract %slice3A_350[0] : i32 from vector<1xi32>
        %get3A_352 = arith.index_cast %squeeze3A_351 : i32 to index
        %get3A_353 = arith.constant 0 : index
        %get3A_354 = tpu.vector_load %arg6[%get3A_352, %get3A_353] {strides = array<i32>} : memref<512x32xf32, #tpu.memory_space<vmem>>, vector<16xf32>,
        %get3A_355 = arith.index_cast %squeeze3A_351 : i32 to index
        %get3A_356 = arith.constant 16 : index
        %get3A_357 = tpu.vector_load %arg6[%get3A_355, %get3A_356] {strides = array<i32>} : memref<512x32xf32, #tpu.memory_space<vmem>>, vector<16xf32>,
        %get3A_358 = arith.index_cast %add3A_349 : i32 to index
        %get3A_359 = arith.constant 0 : index
        %get3A_360 = tpu.vector_load %arg8[%get3A_358, %get3A_359] {strides = array<i32>} : memref<512x32xf32, #tpu.memory_space<vmem>>, vector<16xf32>,
        %get3A_361 = arith.index_cast %add3A_349 : i32 to index
        %get3A_362 = arith.constant 16 : index
        %get3A_363 = tpu.vector_load %arg8[%get3A_361, %get3A_362] {strides = array<i32>} : memref<512x32xf32, #tpu.memory_space<vmem>>, vector<16xf32>,
        %mul3A_364 = arith.mulf %get3A_360, %get3A_354 : vector<16xf32>
        %mul3A_365 = arith.mulf %get3A_363, %get3A_357 : vector<16xf32>
        %add3A_366 = arith.addf %mul3A_364, %mul3A_365 : vector<16xf32>
        %reduce_sum3A_367 = arith.constant true
        %reduce_sum3A_368 = vector.broadcast %reduce_sum3A_367 : i1 to vector<16xi1>
        %reduce_sum3A_369 = tpu.scan <sum>, %add3A_366 masked %reduce_sum3A_368 : vector<16xf32>, vector<16xi1> -> vector<16xf32>
        %reduce_sum3A_370 = vector.extract %reduce_sum3A_369[15] : f32 from vector<16xf32>
        %eq3A_371 = arith.constant 3 : i32
        %eq3A_372 = vector.broadcast %eq3A_371 : i32 to vector<16xi32>
        %eq3A_373 = arith.cmpi eq, %iota3A, %eq3A_372 : vector<16xi32>
        %broadcast_in_dim3A_374 = vector.broadcast %reduce_sum3A_370 : f32 to vector<16xf32>
        %select_n3A_375 = arith.select %eq3A_373, %broadcast_in_dim3A_374, %select_n3A_345 : vector<16xi1>, vector<16xf32>
        %mul3A_376 = arith.constant 16 : i32
        %mul3A_377 = arith.muli %scan3A_228, %mul3A_376 : i32
        %add3A_378 = arith.constant 4 : i32
        %add3A_379 = arith.addi %mul3A_377, %add3A_378 : i32
        %slice3A_380 = vector.extract_strided_slice %select_n3A {offsets = [4], sizes = [1], strides = [1]} : vector<16xi32> to vector<1xi32>
        %squeeze3A_381 = vector.extract %slice3A_380[0] : i32 from vector<1xi32>
        %get3A_382 = arith.index_cast %squeeze3A_381 : i32 to index
        %get3A_383 = arith.constant 0 : index
        %get3A_384 = tpu.vector_load %arg6[%get3A_382, %get3A_383] {strides = array<i32>} : memref<512x32xf32, #tpu.memory_space<vmem>>, vector<16xf32>,
        %get3A_385 = arith.index_cast %squeeze3A_381 : i32 to index
        %get3A_386 = arith.constant 16 : index
        %get3A_387 = tpu.vector_load %arg6[%get3A_385, %get3A_386] {strides = array<i32>} : memref<512x32xf32, #tpu.memory_space<vmem>>, vector<16xf32>,
        %get3A_388 = arith.index_cast %add3A_379 : i32 to index
        %get3A_389 = arith.constant 0 : index
        %get3A_390 = tpu.vector_load %arg8[%get3A_388, %get3A_389] {strides = array<i32>} : memref<512x32xf32, #tpu.memory_space<vmem>>, vector<16xf32>,
        %get3A_391 = arith.index_cast %add3A_379 : i32 to index
        %get3A_392 = arith.constant 16 : index
        %get3A_393 = tpu.vector_load %arg8[%get3A_391, %get3A_392] {strides = array<i32>} : memref<512x32xf32, #tpu.memory_space<vmem>>, vector<16xf32>,
        %mul3A_394 = arith.mulf %get3A_390, %get3A_384 : vector<16xf32>
        %mul3A_395 = arith.mulf %get3A_393, %get3A_387 : vector<16xf32>
        %add3A_396 = arith.addf %mul3A_394, %mul3A_395 : vector<16xf32>
        %reduce_sum3A_397 = arith.constant true
        %reduce_sum3A_398 = vector.broadcast %reduce_sum3A_397 : i1 to vector<16xi1>
        %reduce_sum3A_399 = tpu.scan <sum>, %add3A_396 masked %reduce_sum3A_398 : vector<16xf32>, vector<16xi1> -> vector<16xf32>
        %reduce_sum3A_400 = vector.extract %reduce_sum3A_399[15] : f32 from vector<16xf32>
        %eq3A_401 = arith.constant 4 : i32
        %eq3A_402 = vector.broadcast %eq3A_401 : i32 to vector<16xi32>
        %eq3A_403 = arith.cmpi eq, %iota3A, %eq3A_402 : vector<16xi32>
        %broadcast_in_dim3A_404 = vector.broadcast %reduce_sum3A_400 : f32 to vector<16xf32>
        %select_n3A_405 = arith.select %eq3A_403, %broadcast_in_dim3A_404, %select_n3A_375 : vector<16xi1>, vector<16xf32>
        %mul3A_406 = arith.constant 16 : i32
        %mul3A_407 = arith.muli %scan3A_228, %mul3A_406 : i32
        %add3A_408 = arith.constant 5 : i32
        %add3A_409 = arith.addi %mul3A_407, %add3A_408 : i32
        %slice3A_410 = vector.extract_strided_slice %select_n3A {offsets = [5], sizes = [1], strides = [1]} : vector<16xi32> to vector<1xi32>
        %squeeze3A_411 = vector.extract %slice3A_410[0] : i32 from vector<1xi32>
        %get3A_412 = arith.index_cast %squeeze3A_411 : i32 to index
        %get3A_413 = arith.constant 0 : index
        %get3A_414 = tpu.vector_load %arg6[%get3A_412, %get3A_413] {strides = array<i32>} : memref<512x32xf32, #tpu.memory_space<vmem>>, vector<16xf32>,
        %get3A_415 = arith.index_cast %squeeze3A_411 : i32 to index
        %get3A_416 = arith.constant 16 : index
        %get3A_417 = tpu.vector_load %arg6[%get3A_415, %get3A_416] {strides = array<i32>} : memref<512x32xf32, #tpu.memory_space<vmem>>, vector<16xf32>,
        %get3A_418 = arith.index_cast %add3A_409 : i32 to index
        %get3A_419 = arith.constant 0 : index
        %get3A_420 = tpu.vector_load %arg8[%get3A_418, %get3A_419] {strides = array<i32>} : memref<512x32xf32, #tpu.memory_space<vmem>>, vector<16xf32>,
        %get3A_421 = arith.index_cast %add3A_409 : i32 to index
        %get3A_422 = arith.constant 16 : index
        %get3A_423 = tpu.vector_load %arg8[%get3A_421, %get3A_422] {strides = array<i32>} : memref<512x32xf32, #tpu.memory_space<vmem>>, vector<16xf32>,
        %mul3A_424 = arith.mulf %get3A_420, %get3A_414 : vector<16xf32>
        %mul3A_425 = arith.mulf %get3A_423, %get3A_417 : vector<16xf32>
        %add3A_426 = arith.addf %mul3A_424, %mul3A_425 : vector<16xf32>
        %reduce_sum3A_427 = arith.constant true
        %reduce_sum3A_428 = vector.broadcast %reduce_sum3A_427 : i1 to vector<16xi1>
        %reduce_sum3A_429 = tpu.scan <sum>, %add3A_426 masked %reduce_sum3A_428 : vector<16xf32>, vector<16xi1> -> vector<16xf32>
        %reduce_sum3A_430 = vector.extract %reduce_sum3A_429[15] : f32 from vector<16xf32>
        %eq3A_431 = arith.constant 5 : i32
        %eq3A_432 = vector.broadcast %eq3A_431 : i32 to vector<16xi32>
        %eq3A_433 = arith.cmpi eq, %iota3A, %eq3A_432 : vector<16xi32>
        %broadcast_in_dim3A_434 = vector.broadcast %reduce_sum3A_430 : f32 to vector<16xf32>
        %select_n3A_435 = arith.select %eq3A_433, %broadcast_in_dim3A_434, %select_n3A_405 : vector<16xi1>, vector<16xf32>
        %mul3A_436 = arith.constant 16 : i32
        %mul3A_437 = arith.muli %scan3A_228, %mul3A_436 : i32
        %add3A_438 = arith.constant 6 : i32
        %add3A_439 = arith.addi %mul3A_437, %add3A_438 : i32
        %slice3A_440 = vector.extract_strided_slice %select_n3A {offsets = [6], sizes = [1], strides = [1]} : vector<16xi32> to vector<1xi32>
        %squeeze3A_441 = vector.extract %slice3A_440[0] : i32 from vector<1xi32>
        %get3A_442 = arith.index_cast %squeeze3A_441 : i32 to index
        %get3A_443 = arith.constant 0 : index
        %get3A_444 = tpu.vector_load %arg6[%get3A_442, %get3A_443] {strides = array<i32>} : memref<512x32xf32, #tpu.memory_space<vmem>>, vector<16xf32>,
        %get3A_445 = arith.index_cast %squeeze3A_441 : i32 to index
        %get3A_446 = arith.constant 16 : index
        %get3A_447 = tpu.vector_load %arg6[%get3A_445, %get3A_446] {strides = array<i32>} : memref<512x32xf32, #tpu.memory_space<vmem>>, vector<16xf32>,
        %get3A_448 = arith.index_cast %add3A_439 : i32 to index
        %get3A_449 = arith.constant 0 : index
        %get3A_450 = tpu.vector_load %arg8[%get3A_448, %get3A_449] {strides = array<i32>} : memref<512x32xf32, #tpu.memory_space<vmem>>, vector<16xf32>,
        %get3A_451 = arith.index_cast %add3A_439 : i32 to index
        %get3A_452 = arith.constant 16 : index
        %get3A_453 = tpu.vector_load %arg8[%get3A_451, %get3A_452] {strides = array<i32>} : memref<512x32xf32, #tpu.memory_space<vmem>>, vector<16xf32>,
        %mul3A_454 = arith.mulf %get3A_450, %get3A_444 : vector<16xf32>
        %mul3A_455 = arith.mulf %get3A_453, %get3A_447 : vector<16xf32>
        %add3A_456 = arith.addf %mul3A_454, %mul3A_455 : vector<16xf32>
        %reduce_sum3A_457 = arith.constant true
        %reduce_sum3A_458 = vector.broadcast %reduce_sum3A_457 : i1 to vector<16xi1>
        %reduce_sum3A_459 = tpu.scan <sum>, %add3A_456 masked %reduce_sum3A_458 : vector<16xf32>, vector<16xi1> -> vector<16xf32>
        %reduce_sum3A_460 = vector.extract %reduce_sum3A_459[15] : f32 from vector<16xf32>
        %eq3A_461 = arith.constant 6 : i32
        %eq3A_462 = vector.broadcast %eq3A_461 : i32 to vector<16xi32>
        %eq3A_463 = arith.cmpi eq, %iota3A, %eq3A_462 : vector<16xi32>
        %broadcast_in_dim3A_464 = vector.broadcast %reduce_sum3A_460 : f32 to vector<16xf32>
        %select_n3A_465 = arith.select %eq3A_463, %broadcast_in_dim3A_464, %select_n3A_435 : vector<16xi1>, vector<16xf32>
        %mul3A_466 = arith.constant 16 : i32
        %mul3A_467 = arith.muli %scan3A_228, %mul3A_466 : i32
        %add3A_468 = arith.constant 7 : i32
        %add3A_469 = arith.addi %mul3A_467, %add3A_468 : i32
        %slice3A_470 = vector.extract_strided_slice %select_n3A {offsets = [7], sizes = [1], strides = [1]} : vector<16xi32> to vector<1xi32>
        %squeeze3A_471 = vector.extract %slice3A_470[0] : i32 from vector<1xi32>
        %get3A_472 = arith.index_cast %squeeze3A_471 : i32 to index
        %get3A_473 = arith.constant 0 : index
        %get3A_474 = tpu.vector_load %arg6[%get3A_472, %get3A_473] {strides = array<i32>} : memref<512x32xf32, #tpu.memory_space<vmem>>, vector<16xf32>,
        %get3A_475 = arith.index_cast %squeeze3A_471 : i32 to index
        %get3A_476 = arith.constant 16 : index
        %get3A_477 = tpu.vector_load %arg6[%get3A_475, %get3A_476] {strides = array<i32>} : memref<512x32xf32, #tpu.memory_space<vmem>>, vector<16xf32>,
        %get3A_478 = arith.index_cast %add3A_469 : i32 to index
        %get3A_479 = arith.constant 0 : index
        %get3A_480 = tpu.vector_load %arg8[%get3A_478, %get3A_479] {strides = array<i32>} : memref<512x32xf32, #tpu.memory_space<vmem>>, vector<16xf32>,
        %get3A_481 = arith.index_cast %add3A_469 : i32 to index
        %get3A_482 = arith.constant 16 : index
        %get3A_483 = tpu.vector_load %arg8[%get3A_481, %get3A_482] {strides = array<i32>} : memref<512x32xf32, #tpu.memory_space<vmem>>, vector<16xf32>,
        %mul3A_484 = arith.mulf %get3A_480, %get3A_474 : vector<16xf32>
        %mul3A_485 = arith.mulf %get3A_483, %get3A_477 : vector<16xf32>
        %add3A_486 = arith.addf %mul3A_484, %mul3A_485 : vector<16xf32>
        %reduce_sum3A_487 = arith.constant true
        %reduce_sum3A_488 = vector.broadcast %reduce_sum3A_487 : i1 to vector<16xi1>
        %reduce_sum3A_489 = tpu.scan <sum>, %add3A_486 masked %reduce_sum3A_488 : vector<16xf32>, vector<16xi1> -> vector<16xf32>
        %reduce_sum3A_490 = vector.extract %reduce_sum3A_489[15] : f32 from vector<16xf32>
        %eq3A_491 = arith.constant 7 : i32
        %eq3A_492 = vector.broadcast %eq3A_491 : i32 to vector<16xi32>
        %eq3A_493 = arith.cmpi eq, %iota3A, %eq3A_492 : vector<16xi32>
        %broadcast_in_dim3A_494 = vector.broadcast %reduce_sum3A_490 : f32 to vector<16xf32>
        %select_n3A_495 = arith.select %eq3A_493, %broadcast_in_dim3A_494, %select_n3A_465 : vector<16xi1>, vector<16xf32>
        %mul3A_496 = arith.constant 16 : i32
        %mul3A_497 = arith.muli %scan3A_228, %mul3A_496 : i32
        %add3A_498 = arith.constant 8 : i32
        %add3A_499 = arith.addi %mul3A_497, %add3A_498 : i32
        %slice3A_500 = vector.extract_strided_slice %select_n3A {offsets = [8], sizes = [1], strides = [1]} : vector<16xi32> to vector<1xi32>
        %squeeze3A_501 = vector.extract %slice3A_500[0] : i32 from vector<1xi32>
        %get3A_502 = arith.index_cast %squeeze3A_501 : i32 to index
        %get3A_503 = arith.constant 0 : index
        %get3A_504 = tpu.vector_load %arg6[%get3A_502, %get3A_503] {strides = array<i32>} : memref<512x32xf32, #tpu.memory_space<vmem>>, vector<16xf32>,
        %get3A_505 = arith.index_cast %squeeze3A_501 : i32 to index
        %get3A_506 = arith.constant 16 : index
        %get3A_507 = tpu.vector_load %arg6[%get3A_505, %get3A_506] {strides = array<i32>} : memref<512x32xf32, #tpu.memory_space<vmem>>, vector<16xf32>,
        %get3A_508 = arith.index_cast %add3A_499 : i32 to index
        %get3A_509 = arith.constant 0 : index
        %get3A_510 = tpu.vector_load %arg8[%get3A_508, %get3A_509] {strides = array<i32>} : memref<512x32xf32, #tpu.memory_space<vmem>>, vector<16xf32>,
        %get3A_511 = arith.index_cast %add3A_499 : i32 to index
        %get3A_512 = arith.constant 16 : index
        %get3A_513 = tpu.vector_load %arg8[%get3A_511, %get3A_512] {strides = array<i32>} : memref<512x32xf32, #tpu.memory_space<vmem>>, vector<16xf32>,
        %mul3A_514 = arith.mulf %get3A_510, %get3A_504 : vector<16xf32>
        %mul3A_515 = arith.mulf %get3A_513, %get3A_507 : vector<16xf32>
        %add3A_516 = arith.addf %mul3A_514, %mul3A_515 : vector<16xf32>
        %reduce_sum3A_517 = arith.constant true
        %reduce_sum3A_518 = vector.broadcast %reduce_sum3A_517 : i1 to vector<16xi1>
        %reduce_sum3A_519 = tpu.scan <sum>, %add3A_516 masked %reduce_sum3A_518 : vector<16xf32>, vector<16xi1> -> vector<16xf32>
        %reduce_sum3A_520 = vector.extract %reduce_sum3A_519[15] : f32 from vector<16xf32>
        %eq3A_521 = arith.constant 8 : i32
        %eq3A_522 = vector.broadcast %eq3A_521 : i32 to vector<16xi32>
        %eq3A_523 = arith.cmpi eq, %iota3A, %eq3A_522 : vector<16xi32>
        %broadcast_in_dim3A_524 = vector.broadcast %reduce_sum3A_520 : f32 to vector<16xf32>
        %select_n3A_525 = arith.select %eq3A_523, %broadcast_in_dim3A_524, %select_n3A_495 : vector<16xi1>, vector<16xf32>
        %mul3A_526 = arith.constant 16 : i32
        %mul3A_527 = arith.muli %scan3A_228, %mul3A_526 : i32
        %add3A_528 = arith.constant 9 : i32
        %add3A_529 = arith.addi %mul3A_527, %add3A_528 : i32
        %slice3A_530 = vector.extract_strided_slice %select_n3A {offsets = [9], sizes = [1], strides = [1]} : vector<16xi32> to vector<1xi32>
        %squeeze3A_531 = vector.extract %slice3A_530[0] : i32 from vector<1xi32>
        %get3A_532 = arith.index_cast %squeeze3A_531 : i32 to index
        %get3A_533 = arith.constant 0 : index
        %get3A_534 = tpu.vector_load %arg6[%get3A_532, %get3A_533] {strides = array<i32>} : memref<512x32xf32, #tpu.memory_space<vmem>>, vector<16xf32>,
        %get3A_535 = arith.index_cast %squeeze3A_531 : i32 to index
        %get3A_536 = arith.constant 16 : index
        %get3A_537 = tpu.vector_load %arg6[%get3A_535, %get3A_536] {strides = array<i32>} : memref<512x32xf32, #tpu.memory_space<vmem>>, vector<16xf32>,
        %get3A_538 = arith.index_cast %add3A_529 : i32 to index
        %get3A_539 = arith.constant 0 : index
        %get3A_540 = tpu.vector_load %arg8[%get3A_538, %get3A_539] {strides = array<i32>} : memref<512x32xf32, #tpu.memory_space<vmem>>, vector<16xf32>,
        %get3A_541 = arith.index_cast %add3A_529 : i32 to index
        %get3A_542 = arith.constant 16 : index
        %get3A_543 = tpu.vector_load %arg8[%get3A_541, %get3A_542] {strides = array<i32>} : memref<512x32xf32, #tpu.memory_space<vmem>>, vector<16xf32>,
        %mul3A_544 = arith.mulf %get3A_540, %get3A_534 : vector<16xf32>
        %mul3A_545 = arith.mulf %get3A_543, %get3A_537 : vector<16xf32>
        %add3A_546 = arith.addf %mul3A_544, %mul3A_545 : vector<16xf32>
        %reduce_sum3A_547 = arith.constant true
        %reduce_sum3A_548 = vector.broadcast %reduce_sum3A_547 : i1 to vector<16xi1>
        %reduce_sum3A_549 = tpu.scan <sum>, %add3A_546 masked %reduce_sum3A_548 : vector<16xf32>, vector<16xi1> -> vector<16xf32>
        %reduce_sum3A_550 = vector.extract %reduce_sum3A_549[15] : f32 from vector<16xf32>
        %eq3A_551 = arith.constant 9 : i32
        %eq3A_552 = vector.broadcast %eq3A_551 : i32 to vector<16xi32>
        %eq3A_553 = arith.cmpi eq, %iota3A, %eq3A_552 : vector<16xi32>
        %broadcast_in_dim3A_554 = vector.broadcast %reduce_sum3A_550 : f32 to vector<16xf32>
        %select_n3A_555 = arith.select %eq3A_553, %broadcast_in_dim3A_554, %select_n3A_525 : vector<16xi1>, vector<16xf32>
        %mul3A_556 = arith.constant 16 : i32
        %mul3A_557 = arith.muli %scan3A_228, %mul3A_556 : i32
        %add3A_558 = arith.constant 10 : i32
        %add3A_559 = arith.addi %mul3A_557, %add3A_558 : i32
        %slice3A_560 = vector.extract_strided_slice %select_n3A {offsets = [10], sizes = [1], strides = [1]} : vector<16xi32> to vector<1xi32>
        %squeeze3A_561 = vector.extract %slice3A_560[0] : i32 from vector<1xi32>
        %get3A_562 = arith.index_cast %squeeze3A_561 : i32 to index
        %get3A_563 = arith.constant 0 : index
        %get3A_564 = tpu.vector_load %arg6[%get3A_562, %get3A_563] {strides = array<i32>} : memref<512x32xf32, #tpu.memory_space<vmem>>, vector<16xf32>,
        %get3A_565 = arith.index_cast %squeeze3A_561 : i32 to index
        %get3A_566 = arith.constant 16 : index
        %get3A_567 = tpu.vector_load %arg6[%get3A_565, %get3A_566] {strides = array<i32>} : memref<512x32xf32, #tpu.memory_space<vmem>>, vector<16xf32>,
        %get3A_568 = arith.index_cast %add3A_559 : i32 to index
        %get3A_569 = arith.constant 0 : index
        %get3A_570 = tpu.vector_load %arg8[%get3A_568, %get3A_569] {strides = array<i32>} : memref<512x32xf32, #tpu.memory_space<vmem>>, vector<16xf32>,
        %get3A_571 = arith.index_cast %add3A_559 : i32 to index
        %get3A_572 = arith.constant 16 : index
        %get3A_573 = tpu.vector_load %arg8[%get3A_571, %get3A_572] {strides = array<i32>} : memref<512x32xf32, #tpu.memory_space<vmem>>, vector<16xf32>,
        %mul3A_574 = arith.mulf %get3A_570, %get3A_564 : vector<16xf32>
        %mul3A_575 = arith.mulf %get3A_573, %get3A_567 : vector<16xf32>
        %add3A_576 = arith.addf %mul3A_574, %mul3A_575 : vector<16xf32>
        %reduce_sum3A_577 = arith.constant true
        %reduce_sum3A_578 = vector.broadcast %reduce_sum3A_577 : i1 to vector<16xi1>
        %reduce_sum3A_579 = tpu.scan <sum>, %add3A_576 masked %reduce_sum3A_578 : vector<16xf32>, vector<16xi1> -> vector<16xf32>
        %reduce_sum3A_580 = vector.extract %reduce_sum3A_579[15] : f32 from vector<16xf32>
        %eq3A_581 = arith.constant 10 : i32
        %eq3A_582 = vector.broadcast %eq3A_581 : i32 to vector<16xi32>
        %eq3A_583 = arith.cmpi eq, %iota3A, %eq3A_582 : vector<16xi32>
        %broadcast_in_dim3A_584 = vector.broadcast %reduce_sum3A_580 : f32 to vector<16xf32>
        %select_n3A_585 = arith.select %eq3A_583, %broadcast_in_dim3A_584, %select_n3A_555 : vector<16xi1>, vector<16xf32>
        %mul3A_586 = arith.constant 16 : i32
        %mul3A_587 = arith.muli %scan3A_228, %mul3A_586 : i32
        %add3A_588 = arith.constant 11 : i32
        %add3A_589 = arith.addi %mul3A_587, %add3A_588 : i32
        %slice3A_590 = vector.extract_strided_slice %select_n3A {offsets = [11], sizes = [1], strides = [1]} : vector<16xi32> to vector<1xi32>
        %squeeze3A_591 = vector.extract %slice3A_590[0] : i32 from vector<1xi32>
        %get3A_592 = arith.index_cast %squeeze3A_591 : i32 to index
        %get3A_593 = arith.constant 0 : index
        %get3A_594 = tpu.vector_load %arg6[%get3A_592, %get3A_593] {strides = array<i32>} : memref<512x32xf32, #tpu.memory_space<vmem>>, vector<16xf32>,
        %get3A_595 = arith.index_cast %squeeze3A_591 : i32 to index
        %get3A_596 = arith.constant 16 : index
        %get3A_597 = tpu.vector_load %arg6[%get3A_595, %get3A_596] {strides = array<i32>} : memref<512x32xf32, #tpu.memory_space<vmem>>, vector<16xf32>,
        %get3A_598 = arith.index_cast %add3A_589 : i32 to index
        %get3A_599 = arith.constant 0 : index
        %get3A_600 = tpu.vector_load %arg8[%get3A_598, %get3A_599] {strides = array<i32>} : memref<512x32xf32, #tpu.memory_space<vmem>>, vector<16xf32>,
        %get3A_601 = arith.index_cast %add3A_589 : i32 to index
        %get3A_602 = arith.constant 16 : index
        %get3A_603 = tpu.vector_load %arg8[%get3A_601, %get3A_602] {strides = array<i32>} : memref<512x32xf32, #tpu.memory_space<vmem>>, vector<16xf32>,
        %mul3A_604 = arith.mulf %get3A_600, %get3A_594 : vector<16xf32>
        %mul3A_605 = arith.mulf %get3A_603, %get3A_597 : vector<16xf32>
        %add3A_606 = arith.addf %mul3A_604, %mul3A_605 : vector<16xf32>
        %reduce_sum3A_607 = arith.constant true
        %reduce_sum3A_608 = vector.broadcast %reduce_sum3A_607 : i1 to vector<16xi1>
        %reduce_sum3A_609 = tpu.scan <sum>, %add3A_606 masked %reduce_sum3A_608 : vector<16xf32>, vector<16xi1> -> vector<16xf32>
        %reduce_sum3A_610 = vector.extract %reduce_sum3A_609[15] : f32 from vector<16xf32>
        %eq3A_611 = arith.constant 11 : i32
        %eq3A_612 = vector.broadcast %eq3A_611 : i32 to vector<16xi32>
        %eq3A_613 = arith.cmpi eq, %iota3A, %eq3A_612 : vector<16xi32>
        %broadcast_in_dim3A_614 = vector.broadcast %reduce_sum3A_610 : f32 to vector<16xf32>
        %select_n3A_615 = arith.select %eq3A_613, %broadcast_in_dim3A_614, %select_n3A_585 : vector<16xi1>, vector<16xf32>
        %mul3A_616 = arith.constant 16 : i32
        %mul3A_617 = arith.muli %scan3A_228, %mul3A_616 : i32
        %add3A_618 = arith.constant 12 : i32
        %add3A_619 = arith.addi %mul3A_617, %add3A_618 : i32
        %slice3A_620 = vector.extract_strided_slice %select_n3A {offsets = [12], sizes = [1], strides = [1]} : vector<16xi32> to vector<1xi32>
        %squeeze3A_621 = vector.extract %slice3A_620[0] : i32 from vector<1xi32>
        %get3A_622 = arith.index_cast %squeeze3A_621 : i32 to index
        %get3A_623 = arith.constant 0 : index
        %get3A_624 = tpu.vector_load %arg6[%get3A_622, %get3A_623] {strides = array<i32>} : memref<512x32xf32, #tpu.memory_space<vmem>>, vector<16xf32>,
        %get3A_625 = arith.index_cast %squeeze3A_621 : i32 to index
        %get3A_626 = arith.constant 16 : index
        %get3A_627 = tpu.vector_load %arg6[%get3A_625, %get3A_626] {strides = array<i32>} : memref<512x32xf32, #tpu.memory_space<vmem>>, vector<16xf32>,
        %get3A_628 = arith.index_cast %add3A_619 : i32 to index
        %get3A_629 = arith.constant 0 : index
        %get3A_630 = tpu.vector_load %arg8[%get3A_628, %get3A_629] {strides = array<i32>} : memref<512x32xf32, #tpu.memory_space<vmem>>, vector<16xf32>,
        %get3A_631 = arith.index_cast %add3A_619 : i32 to index
        %get3A_632 = arith.constant 16 : index
        %get3A_633 = tpu.vector_load %arg8[%get3A_631, %get3A_632] {strides = array<i32>} : memref<512x32xf32, #tpu.memory_space<vmem>>, vector<16xf32>,
        %mul3A_634 = arith.mulf %get3A_630, %get3A_624 : vector<16xf32>
        %mul3A_635 = arith.mulf %get3A_633, %get3A_627 : vector<16xf32>
        %add3A_636 = arith.addf %mul3A_634, %mul3A_635 : vector<16xf32>
        %reduce_sum3A_637 = arith.constant true
        %reduce_sum3A_638 = vector.broadcast %reduce_sum3A_637 : i1 to vector<16xi1>
        %reduce_sum3A_639 = tpu.scan <sum>, %add3A_636 masked %reduce_sum3A_638 : vector<16xf32>, vector<16xi1> -> vector<16xf32>
        %reduce_sum3A_640 = vector.extract %reduce_sum3A_639[15] : f32 from vector<16xf32>
        %eq3A_641 = arith.constant 12 : i32
        %eq3A_642 = vector.broadcast %eq3A_641 : i32 to vector<16xi32>
        %eq3A_643 = arith.cmpi eq, %iota3A, %eq3A_642 : vector<16xi32>
        %broadcast_in_dim3A_644 = vector.broadcast %reduce_sum3A_640 : f32 to vector<16xf32>
        %select_n3A_645 = arith.select %eq3A_643, %broadcast_in_dim3A_644, %select_n3A_615 : vector<16xi1>, vector<16xf32>
        %mul3A_646 = arith.constant 16 : i32
        %mul3A_647 = arith.muli %scan3A_228, %mul3A_646 : i32
        %add3A_648 = arith.constant 13 : i32
        %add3A_649 = arith.addi %mul3A_647, %add3A_648 : i32
        %slice3A_650 = vector.extract_strided_slice %select_n3A {offsets = [13], sizes = [1], strides = [1]} : vector<16xi32> to vector<1xi32>
        %squeeze3A_651 = vector.extract %slice3A_650[0] : i32 from vector<1xi32>
        %get3A_652 = arith.index_cast %squeeze3A_651 : i32 to index
        %get3A_653 = arith.constant 0 : index
        %get3A_654 = tpu.vector_load %arg6[%get3A_652, %get3A_653] {strides = array<i32>} : memref<512x32xf32, #tpu.memory_space<vmem>>, vector<16xf32>,
        %get3A_655 = arith.index_cast %squeeze3A_651 : i32 to index
        %get3A_656 = arith.constant 16 : index
        %get3A_657 = tpu.vector_load %arg6[%get3A_655, %get3A_656] {strides = array<i32>} : memref<512x32xf32, #tpu.memory_space<vmem>>, vector<16xf32>,
        %get3A_658 = arith.index_cast %add3A_649 : i32 to index
        %get3A_659 = arith.constant 0 : index
        %get3A_660 = tpu.vector_load %arg8[%get3A_658, %get3A_659] {strides = array<i32>} : memref<512x32xf32, #tpu.memory_space<vmem>>, vector<16xf32>,
        %get3A_661 = arith.index_cast %add3A_649 : i32 to index
        %get3A_662 = arith.constant 16 : index
        %get3A_663 = tpu.vector_load %arg8[%get3A_661, %get3A_662] {strides = array<i32>} : memref<512x32xf32, #tpu.memory_space<vmem>>, vector<16xf32>,
        %mul3A_664 = arith.mulf %get3A_660, %get3A_654 : vector<16xf32>
        %mul3A_665 = arith.mulf %get3A_663, %get3A_657 : vector<16xf32>
        %add3A_666 = arith.addf %mul3A_664, %mul3A_665 : vector<16xf32>
        %reduce_sum3A_667 = arith.constant true
        %reduce_sum3A_668 = vector.broadcast %reduce_sum3A_667 : i1 to vector<16xi1>
        %reduce_sum3A_669 = tpu.scan <sum>, %add3A_666 masked %reduce_sum3A_668 : vector<16xf32>, vector<16xi1> -> vector<16xf32>
        %reduce_sum3A_670 = vector.extract %reduce_sum3A_669[15] : f32 from vector<16xf32>
        %eq3A_671 = arith.constant 13 : i32
        %eq3A_672 = vector.broadcast %eq3A_671 : i32 to vector<16xi32>
        %eq3A_673 = arith.cmpi eq, %iota3A, %eq3A_672 : vector<16xi32>
        %broadcast_in_dim3A_674 = vector.broadcast %reduce_sum3A_670 : f32 to vector<16xf32>
        %select_n3A_675 = arith.select %eq3A_673, %broadcast_in_dim3A_674, %select_n3A_645 : vector<16xi1>, vector<16xf32>
        %mul3A_676 = arith.constant 16 : i32
        %mul3A_677 = arith.muli %scan3A_228, %mul3A_676 : i32
        %add3A_678 = arith.constant 14 : i32
        %add3A_679 = arith.addi %mul3A_677, %add3A_678 : i32
        %slice3A_680 = vector.extract_strided_slice %select_n3A {offsets = [14], sizes = [1], strides = [1]} : vector<16xi32> to vector<1xi32>
        %squeeze3A_681 = vector.extract %slice3A_680[0] : i32 from vector<1xi32>
        %get3A_682 = arith.index_cast %squeeze3A_681 : i32 to index
        %get3A_683 = arith.constant 0 : index
        %get3A_684 = tpu.vector_load %arg6[%get3A_682, %get3A_683] {strides = array<i32>} : memref<512x32xf32, #tpu.memory_space<vmem>>, vector<16xf32>,
        %get3A_685 = arith.index_cast %squeeze3A_681 : i32 to index
        %get3A_686 = arith.constant 16 : index
        %get3A_687 = tpu.vector_load %arg6[%get3A_685, %get3A_686] {strides = array<i32>} : memref<512x32xf32, #tpu.memory_space<vmem>>, vector<16xf32>,
        %get3A_688 = arith.index_cast %add3A_679 : i32 to index
        %get3A_689 = arith.constant 0 : index
        %get3A_690 = tpu.vector_load %arg8[%get3A_688, %get3A_689] {strides = array<i32>} : memref<512x32xf32, #tpu.memory_space<vmem>>, vector<16xf32>,
        %get3A_691 = arith.index_cast %add3A_679 : i32 to index
        %get3A_692 = arith.constant 16 : index
        %get3A_693 = tpu.vector_load %arg8[%get3A_691, %get3A_692] {strides = array<i32>} : memref<512x32xf32, #tpu.memory_space<vmem>>, vector<16xf32>,
        %mul3A_694 = arith.mulf %get3A_690, %get3A_684 : vector<16xf32>
        %mul3A_695 = arith.mulf %get3A_693, %get3A_687 : vector<16xf32>
        %add3A_696 = arith.addf %mul3A_694, %mul3A_695 : vector<16xf32>
        %reduce_sum3A_697 = arith.constant true
        %reduce_sum3A_698 = vector.broadcast %reduce_sum3A_697 : i1 to vector<16xi1>
        %reduce_sum3A_699 = tpu.scan <sum>, %add3A_696 masked %reduce_sum3A_698 : vector<16xf32>, vector<16xi1> -> vector<16xf32>
        %reduce_sum3A_700 = vector.extract %reduce_sum3A_699[15] : f32 from vector<16xf32>
        %eq3A_701 = arith.constant 14 : i32
        %eq3A_702 = vector.broadcast %eq3A_701 : i32 to vector<16xi32>
        %eq3A_703 = arith.cmpi eq, %iota3A, %eq3A_702 : vector<16xi32>
        %broadcast_in_dim3A_704 = vector.broadcast %reduce_sum3A_700 : f32 to vector<16xf32>
        %select_n3A_705 = arith.select %eq3A_703, %broadcast_in_dim3A_704, %select_n3A_675 : vector<16xi1>, vector<16xf32>
        %mul3A_706 = arith.constant 16 : i32
        %mul3A_707 = arith.muli %scan3A_228, %mul3A_706 : i32
        %add3A_708 = arith.constant 15 : i32
        %add3A_709 = arith.addi %mul3A_707, %add3A_708 : i32
        %slice3A_710 = vector.extract_strided_slice %select_n3A {offsets = [15], sizes = [1], strides = [1]} : vector<16xi32> to vector<1xi32>
        %squeeze3A_711 = vector.extract %slice3A_710[0] : i32 from vector<1xi32>
        %get3A_712 = arith.index_cast %squeeze3A_711 : i32 to index
        %get3A_713 = arith.constant 0 : index
        %get3A_714 = tpu.vector_load %arg6[%get3A_712, %get3A_713] {strides = array<i32>} : memref<512x32xf32, #tpu.memory_space<vmem>>, vector<16xf32>,
        %get3A_715 = arith.index_cast %squeeze3A_711 : i32 to index
        %get3A_716 = arith.constant 16 : index
        %get3A_717 = tpu.vector_load %arg6[%get3A_715, %get3A_716] {strides = array<i32>} : memref<512x32xf32, #tpu.memory_space<vmem>>, vector<16xf32>,
        %get3A_718 = arith.index_cast %add3A_709 : i32 to index
        %get3A_719 = arith.constant 0 : index
        %get3A_720 = tpu.vector_load %arg8[%get3A_718, %get3A_719] {strides = array<i32>} : memref<512x32xf32, #tpu.memory_space<vmem>>, vector<16xf32>,
        %get3A_721 = arith.index_cast %add3A_709 : i32 to index
        %get3A_722 = arith.constant 16 : index
        %get3A_723 = tpu.vector_load %arg8[%get3A_721, %get3A_722] {strides = array<i32>} : memref<512x32xf32, #tpu.memory_space<vmem>>, vector<16xf32>,
        %mul3A_724 = arith.mulf %get3A_720, %get3A_714 : vector<16xf32>
        %mul3A_725 = arith.mulf %get3A_723, %get3A_717 : vector<16xf32>
        %add3A_726 = arith.addf %mul3A_724, %mul3A_725 : vector<16xf32>
        %reduce_sum3A_727 = arith.constant true
        %reduce_sum3A_728 = vector.broadcast %reduce_sum3A_727 : i1 to vector<16xi1>
        %reduce_sum3A_729 = tpu.scan <sum>, %add3A_726 masked %reduce_sum3A_728 : vector<16xf32>, vector<16xi1> -> vector<16xf32>
        %reduce_sum3A_730 = vector.extract %reduce_sum3A_729[15] : f32 from vector<16xf32>
        %eq3A_731 = arith.constant 15 : i32
        %eq3A_732 = vector.broadcast %eq3A_731 : i32 to vector<16xi32>
        %eq3A_733 = arith.cmpi eq, %iota3A, %eq3A_732 : vector<16xi32>
        %broadcast_in_dim3A_734 = vector.broadcast %reduce_sum3A_730 : f32 to vector<16xf32>
        %select_n3A_735 = arith.select %eq3A_733, %broadcast_in_dim3A_734, %select_n3A_705 : vector<16xi1>, vector<16xf32>
        %neg3A = arith.constant 0.000000e+00 : f32
        %neg3A_736 = vector.broadcast %neg3A : f32 to vector<16xf32>
        %neg3A_737 = arith.subf %neg3A_736, %select_n3A_735 : vector<16xf32>
        %mul3A_738 = arith.constant 512 : i32
        %mul3A_739 = arith.muli %mul3A_203, %mul3A_738 : i32
        %mul3A_740 = arith.constant 16 : i32
        %mul3A_741 = arith.muli %scan3A_228, %mul3A_740 : i32
        %add3A_742 = arith.addi %mul3A_739, %mul3A_741 : i32
        %swap3A = arith.index_cast %add3A_742 : i32 to index
        %swap3A_743 = tpu.vector_load %arg10[%swap3A] {strides = array<i32>} : memref<25600xf32, #tpu.memory_space<vmem>>, vector<16xf32>,
        tpu.vector_store %arg10[%swap3A], %neg3A_737 {strides = array<i32>} : memref<25600xf32, #tpu.memory_space<vmem>>, vector<16xf32>,
      }
      %scan3A_209 = arith.constant 32 : i32
      %lt3A = arith.constant 24 : i32
      %lt3A_210 = arith.cmpi slt, %scan3A_139, %lt3A : i32
      %convert_element_type3A = arith.extui %lt3A_210 : i1 to i32
      %cond3A = arith.constant 0 : i32
      %cond3A_211 = arith.cmpi ne, %convert_element_type3A, %cond3A : i32
      scf.if %cond3A_211 {
        %mul3A_228 = arith.constant 2 : i32
        %mul3A_229 = arith.muli %mul3A_228, %scan3A_139 : i32
        %add3A_230 = arith.constant 2 : i32
        %add3A_231 = arith.addi %mul3A_229, %add3A_230 : i32
        %mul3A_232 = arith.constant 4 : i32
        %mul3A_233 = arith.muli %add3A_231, %mul3A_232 : i32
        %add3A_234 = arith.constant 0 : i32
        %add3A_235 = arith.addi %mul3A_233, %add3A_234 : i32
        %dma_start3A_236 = arith.constant 0 : i32
        %dma_start3A_237 = arith.constant 0 : i32
        %dma_start3A_238 = tpu.memref_slice %arg8[%dma_start3A_236, %dma_start3A_237] : memref<512x32xf32, #tpu.memory_space<vmem>> -> memref<128x32xf32, #tpu.memory_space<vmem>>
        %dma_start3A_239 = arith.constant 0 : i32
        %dma_start3A_240 = tpu.memref_slice %arg7[%add3A_235, %dma_start3A_239] : memref<200x128xi32, #tpu.memory_space<vmem>> -> memref<1x128xi32, #tpu.memory_space<vmem>>
        %dma_start3A_241 = tpu.memref_squeeze %dma_start3A_240 : memref<1x128xi32, #tpu.memory_space<vmem>> -> memref<128xi32, #tpu.memory_space<vmem>>
        %dma_start3A_242 = arith.constant 0 : i32
        %dma_start3A_243 = arith.constant 0 : i32
        %dma_start3A_244 = tpu.memref_slice %arg4[%dma_start3A_242, %dma_start3A_243] : memref<1000000x32xf32, #tpu.memory_space<hbm>> -> memref<1000000x32xf32, #tpu.memory_space<hbm>>
        tpu.enqueue_indirect_dma source(%dma_start3A_244 : memref<1000000x32xf32, #tpu.memory_space<hbm>>) target(%dma_start3A_238 : memref<128x32xf32, #tpu.memory_space<vmem>>) offsets(%dma_start3A_241 : memref<128xi32, #tpu.memory_space<vmem>>) semaphore(%arg12 : memref<!tpu.dma_semaphore, #tpu.memory_space<semaphore_mem>>)
        %mul3A_245 = arith.constant 4 : i32
        %mul3A_246 = arith.muli %add3A_231, %mul3A_245 : i32
        %add3A_247 = arith.constant 1 : i32
        %add3A_248 = arith.addi %mul3A_246, %add3A_247 : i32
        %dma_start3A_249 = arith.constant 128 : i32
        %dma_start3A_250 = arith.constant 0 : i32
        %dma_start3A_251 = tpu.memref_slice %arg8[%dma_start3A_249, %dma_start3A_250] : memref<512x32xf32, #tpu.memory_space<vmem>> -> memref<128x32xf32, #tpu.memory_space<vmem>>
        %dma_start3A_252 = arith.constant 0 : i32
        %dma_start3A_253 = tpu.memref_slice %arg7[%add3A_248, %dma_start3A_252] : memref<200x128xi32, #tpu.memory_space<vmem>> -> memref<1x128xi32, #tpu.memory_space<vmem>>
        %dma_start3A_254 = tpu.memref_squeeze %dma_start3A_253 : memref<1x128xi32, #tpu.memory_space<vmem>> -> memref<128xi32, #tpu.memory_space<vmem>>
        %dma_start3A_255 = arith.constant 0 : i32
        %dma_start3A_256 = arith.constant 0 : i32
        %dma_start3A_257 = tpu.memref_slice %arg4[%dma_start3A_255, %dma_start3A_256] : memref<1000000x32xf32, #tpu.memory_space<hbm>> -> memref<1000000x32xf32, #tpu.memory_space<hbm>>
        tpu.enqueue_indirect_dma source(%dma_start3A_257 : memref<1000000x32xf32, #tpu.memory_space<hbm>>) target(%dma_start3A_251 : memref<128x32xf32, #tpu.memory_space<vmem>>) offsets(%dma_start3A_254 : memref<128xi32, #tpu.memory_space<vmem>>) semaphore(%arg12 : memref<!tpu.dma_semaphore, #tpu.memory_space<semaphore_mem>>)
        %mul3A_258 = arith.constant 4 : i32
        %mul3A_259 = arith.muli %add3A_231, %mul3A_258 : i32
        %add3A_260 = arith.constant 2 : i32
        %add3A_261 = arith.addi %mul3A_259, %add3A_260 : i32
        %dma_start3A_262 = arith.constant 256 : i32
        %dma_start3A_263 = arith.constant 0 : i32
        %dma_start3A_264 = tpu.memref_slice %arg8[%dma_start3A_262, %dma_start3A_263] : memref<512x32xf32, #tpu.memory_space<vmem>> -> memref<128x32xf32, #tpu.memory_space<vmem>>
        %dma_start3A_265 = arith.constant 0 : i32
        %dma_start3A_266 = tpu.memref_slice %arg7[%add3A_261, %dma_start3A_265] : memref<200x128xi32, #tpu.memory_space<vmem>> -> memref<1x128xi32, #tpu.memory_space<vmem>>
        %dma_start3A_267 = tpu.memref_squeeze %dma_start3A_266 : memref<1x128xi32, #tpu.memory_space<vmem>> -> memref<128xi32, #tpu.memory_space<vmem>>
        %dma_start3A_268 = arith.constant 0 : i32
        %dma_start3A_269 = arith.constant 0 : i32
        %dma_start3A_270 = tpu.memref_slice %arg4[%dma_start3A_268, %dma_start3A_269] : memref<1000000x32xf32, #tpu.memory_space<hbm>> -> memref<1000000x32xf32, #tpu.memory_space<hbm>>
        tpu.enqueue_indirect_dma source(%dma_start3A_270 : memref<1000000x32xf32, #tpu.memory_space<hbm>>) target(%dma_start3A_264 : memref<128x32xf32, #tpu.memory_space<vmem>>) offsets(%dma_start3A_267 : memref<128xi32, #tpu.memory_space<vmem>>) semaphore(%arg12 : memref<!tpu.dma_semaphore, #tpu.memory_space<semaphore_mem>>)
        %mul3A_271 = arith.constant 4 : i32
        %mul3A_272 = arith.muli %add3A_231, %mul3A_271 : i32
        %add3A_273 = arith.constant 3 : i32
        %add3A_274 = arith.addi %mul3A_272, %add3A_273 : i32
        %dma_start3A_275 = arith.constant 384 : i32
        %dma_start3A_276 = arith.constant 0 : i32
        %dma_start3A_277 = tpu.memref_slice %arg8[%dma_start3A_275, %dma_start3A_276] : memref<512x32xf32, #tpu.memory_space<vmem>> -> memref<128x32xf32, #tpu.memory_space<vmem>>
        %dma_start3A_278 = arith.constant 0 : i32
        %dma_start3A_279 = tpu.memref_slice %arg7[%add3A_274, %dma_start3A_278] : memref<200x128xi32, #tpu.memory_space<vmem>> -> memref<1x128xi32, #tpu.memory_space<vmem>>
        %dma_start3A_280 = tpu.memref_squeeze %dma_start3A_279 : memref<1x128xi32, #tpu.memory_space<vmem>> -> memref<128xi32, #tpu.memory_space<vmem>>
        %dma_start3A_281 = arith.constant 0 : i32
        %dma_start3A_282 = arith.constant 0 : i32
        %dma_start3A_283 = tpu.memref_slice %arg4[%dma_start3A_281, %dma_start3A_282] : memref<1000000x32xf32, #tpu.memory_space<hbm>> -> memref<1000000x32xf32, #tpu.memory_space<hbm>>
        tpu.enqueue_indirect_dma source(%dma_start3A_283 : memref<1000000x32xf32, #tpu.memory_space<hbm>>) target(%dma_start3A_277 : memref<128x32xf32, #tpu.memory_space<vmem>>) offsets(%dma_start3A_280 : memref<128xi32, #tpu.memory_space<vmem>>) semaphore(%arg12 : memref<!tpu.dma_semaphore, #tpu.memory_space<semaphore_mem>>)
      } else {
      }
      %dma_wait3A_212 = arith.constant 0 : i32
      %dma_wait3A_213 = arith.constant 0 : i32
      %dma_wait3A_214 = tpu.memref_slice %arg4[%dma_wait3A_212, %dma_wait3A_213] : memref<1000000x32xf32, #tpu.memory_space<hbm>> -> memref<512x32xf32, #tpu.memory_space<hbm>>
      %dma_wait3A_215 = arith.constant 0 : i32
      %dma_wait3A_216 = arith.constant 0 : i32
      %dma_wait3A_217 = tpu.memref_slice %arg4[%dma_wait3A_215, %dma_wait3A_216] : memref<1000000x32xf32, #tpu.memory_space<hbm>> -> memref<512x32xf32, #tpu.memory_space<hbm>>
      tpu.wait_dma2 semaphore(%arg13 : memref<!tpu.dma_semaphore, #tpu.memory_space<semaphore_mem>>) src(%dma_wait3A_217 : memref<512x32xf32, #tpu.memory_space<hbm>>) dst(%arg9 : memref<512x32xf32, #tpu.memory_space<vmem>>)
      %mul3A_218 = arith.constant 2 : i32
      %mul3A_219 = arith.muli %mul3A_218, %scan3A_139 : i32
      %add3A_220 = arith.constant 1 : i32
      %add3A_221 = arith.addi %mul3A_219, %add3A_220 : i32
      %scan3A_222 = arith.constant 0 : i32
      %scan3A_223 = arith.constant 0 : i32
      %scan3A_224 = arith.constant 32 : i32
      %scan3A_225 = arith.addi %scan3A_223, %scan3A_224 : i32
      %scan3A_226 = arith.constant 1 : i32
      scf.for %scan3A_228 = %scan3A_223 to %scan3A_225 step %scan3A_226  : i32 {
        %mul3A_229 = arith.constant 512 : i32
        %mul3A_230 = arith.muli %add3A_221, %mul3A_229 : i32
        %mul3A_231 = arith.constant 16 : i32
        %mul3A_232 = arith.muli %scan3A_228, %mul3A_231 : i32
        %add3A_233 = arith.addi %mul3A_230, %mul3A_232 : i32
        %add3A_234 = vector.broadcast %add3A_233 : i32 to vector<16xi32>
        %add3A_235 = arith.addi %add3A_234, %iota3A : vector<16xi32>
        %jit3A = arith.constant 50 : i32
        %div3A = vector.broadcast %jit3A : i32 to vector<16xi32>
        %div3A_236 = arith.divsi %add3A_235, %div3A : vector<16xi32>
        %sign3A = arith.constant 0 : i32
        %sign3A_237 = vector.broadcast %sign3A : i32 to vector<16xi32>
        %sign3A_238 = arith.cmpi sgt, %add3A_235, %sign3A_237 : vector<16xi32>
        %sign3A_239 = arith.extui %sign3A_238 : vector<16xi1> to vector<16xi32>
        %sign3A_240 = arith.constant 0 : i32
        %sign3A_241 = vector.broadcast %sign3A_240 : i32 to vector<16xi32>
        %sign3A_242 = arith.cmpi slt, %add3A_235, %sign3A_241 : vector<16xi32>
        %sign3A_243 = arith.extui %sign3A_242 : vector<16xi1> to vector<16xi32>
        %sign3A_244 = arith.subi %sign3A_239, %sign3A_243 : vector<16xi32>
        %sign3A_245 = arith.constant 0 : i32
        %sign3A_246 = arith.cmpi sgt, %jit3A, %sign3A_245 : i32
        %sign3A_247 = arith.extui %sign3A_246 : i1 to i32
        %sign3A_248 = arith.constant 0 : i32
        %sign3A_249 = arith.cmpi slt, %jit3A, %sign3A_248 : i32
        %sign3A_250 = arith.extui %sign3A_249 : i1 to i32
        %sign3A_251 = arith.subi %sign3A_247, %sign3A_250 : i32
        %ne3A = vector.broadcast %sign3A_251 : i32 to vector<16xi32>
        %ne3A_252 = arith.cmpi ne, %sign3A_244, %ne3A : vector<16xi32>
        %rem3A = vector.broadcast %jit3A : i32 to vector<16xi32>
        %rem3A_253 = arith.remsi %add3A_235, %rem3A : vector<16xi32>
        %ne3A_254 = arith.constant 0 : i32
        %ne3A_255 = vector.broadcast %ne3A_254 : i32 to vector<16xi32>
        %ne3A_256 = arith.cmpi ne, %rem3A_253, %ne3A_255 : vector<16xi32>
        %and3A = arith.andi %ne3A_252, %ne3A_256 : vector<16xi1>
        %sub3A = arith.constant 1 : i32
        %sub3A_257 = vector.broadcast %sub3A : i32 to vector<16xi32>
        %sub3A_258 = arith.subi %div3A_236, %sub3A_257 : vector<16xi32>
        %select_n3A = arith.select %and3A, %sub3A_258, %div3A_236 : vector<16xi1>, vector<16xi32>
        %broadcast_in_dim3A_259 = arith.constant 0.000000e+00 : f32
        %broadcast_in_dim3A_260 = vector.broadcast %broadcast_in_dim3A_259 : f32 to vector<16xf32>
        %mul3A_261 = arith.constant 16 : i32
        %mul3A_262 = arith.muli %scan3A_228, %mul3A_261 : i32
        %add3A_263 = arith.constant 0 : i32
        %add3A_264 = arith.addi %mul3A_262, %add3A_263 : i32
        %slice3A = vector.extract_strided_slice %select_n3A {offsets = [0], sizes = [1], strides = [1]} : vector<16xi32> to vector<1xi32>
        %squeeze3A = vector.extract %slice3A[0] : i32 from vector<1xi32>
        %get3A = arith.index_cast %squeeze3A : i32 to index
        %get3A_265 = arith.constant 0 : index
        %get3A_266 = tpu.vector_load %arg6[%get3A, %get3A_265] {strides = array<i32>} : memref<512x32xf32, #tpu.memory_space<vmem>>, vector<16xf32>,
        %get3A_267 = arith.index_cast %squeeze3A : i32 to index
        %get3A_268 = arith.constant 16 : index
        %get3A_269 = tpu.vector_load %arg6[%get3A_267, %get3A_268] {strides = array<i32>} : memref<512x32xf32, #tpu.memory_space<vmem>>, vector<16xf32>,
        %get3A_270 = arith.index_cast %add3A_264 : i32 to index
        %get3A_271 = arith.constant 0 : index
        %get3A_272 = tpu.vector_load %arg9[%get3A_270, %get3A_271] {strides = array<i32>} : memref<512x32xf32, #tpu.memory_space<vmem>>, vector<16xf32>,
        %get3A_273 = arith.index_cast %add3A_264 : i32 to index
        %get3A_274 = arith.constant 16 : index
        %get3A_275 = tpu.vector_load %arg9[%get3A_273, %get3A_274] {strides = array<i32>} : memref<512x32xf32, #tpu.memory_space<vmem>>, vector<16xf32>,
        %mul3A_276 = arith.mulf %get3A_272, %get3A_266 : vector<16xf32>
        %mul3A_277 = arith.mulf %get3A_275, %get3A_269 : vector<16xf32>
        %add3A_278 = arith.addf %mul3A_276, %mul3A_277 : vector<16xf32>
        %reduce_sum3A = arith.constant true
        %reduce_sum3A_279 = vector.broadcast %reduce_sum3A : i1 to vector<16xi1>
        %reduce_sum3A_280 = tpu.scan <sum>, %add3A_278 masked %reduce_sum3A_279 : vector<16xf32>, vector<16xi1> -> vector<16xf32>
        %reduce_sum3A_281 = vector.extract %reduce_sum3A_280[15] : f32 from vector<16xf32>
        %eq3A = arith.constant 0 : i32
        %eq3A_282 = vector.broadcast %eq3A : i32 to vector<16xi32>
        %eq3A_283 = arith.cmpi eq, %iota3A, %eq3A_282 : vector<16xi32>
        %broadcast_in_dim3A_284 = vector.broadcast %reduce_sum3A_281 : f32 to vector<16xf32>
        %select_n3A_285 = arith.select %eq3A_283, %broadcast_in_dim3A_284, %broadcast_in_dim3A_260 : vector<16xi1>, vector<16xf32>
        %mul3A_286 = arith.constant 16 : i32
        %mul3A_287 = arith.muli %scan3A_228, %mul3A_286 : i32
        %add3A_288 = arith.constant 1 : i32
        %add3A_289 = arith.addi %mul3A_287, %add3A_288 : i32
        %slice3A_290 = vector.extract_strided_slice %select_n3A {offsets = [1], sizes = [1], strides = [1]} : vector<16xi32> to vector<1xi32>
        %squeeze3A_291 = vector.extract %slice3A_290[0] : i32 from vector<1xi32>
        %get3A_292 = arith.index_cast %squeeze3A_291 : i32 to index
        %get3A_293 = arith.constant 0 : index
        %get3A_294 = tpu.vector_load %arg6[%get3A_292, %get3A_293] {strides = array<i32>} : memref<512x32xf32, #tpu.memory_space<vmem>>, vector<16xf32>,
        %get3A_295 = arith.index_cast %squeeze3A_291 : i32 to index
        %get3A_296 = arith.constant 16 : index
        %get3A_297 = tpu.vector_load %arg6[%get3A_295, %get3A_296] {strides = array<i32>} : memref<512x32xf32, #tpu.memory_space<vmem>>, vector<16xf32>,
        %get3A_298 = arith.index_cast %add3A_289 : i32 to index
        %get3A_299 = arith.constant 0 : index
        %get3A_300 = tpu.vector_load %arg9[%get3A_298, %get3A_299] {strides = array<i32>} : memref<512x32xf32, #tpu.memory_space<vmem>>, vector<16xf32>,
        %get3A_301 = arith.index_cast %add3A_289 : i32 to index
        %get3A_302 = arith.constant 16 : index
        %get3A_303 = tpu.vector_load %arg9[%get3A_301, %get3A_302] {strides = array<i32>} : memref<512x32xf32, #tpu.memory_space<vmem>>, vector<16xf32>,
        %mul3A_304 = arith.mulf %get3A_300, %get3A_294 : vector<16xf32>
        %mul3A_305 = arith.mulf %get3A_303, %get3A_297 : vector<16xf32>
        %add3A_306 = arith.addf %mul3A_304, %mul3A_305 : vector<16xf32>
        %reduce_sum3A_307 = arith.constant true
        %reduce_sum3A_308 = vector.broadcast %reduce_sum3A_307 : i1 to vector<16xi1>
        %reduce_sum3A_309 = tpu.scan <sum>, %add3A_306 masked %reduce_sum3A_308 : vector<16xf32>, vector<16xi1> -> vector<16xf32>
        %reduce_sum3A_310 = vector.extract %reduce_sum3A_309[15] : f32 from vector<16xf32>
        %eq3A_311 = arith.constant 1 : i32
        %eq3A_312 = vector.broadcast %eq3A_311 : i32 to vector<16xi32>
        %eq3A_313 = arith.cmpi eq, %iota3A, %eq3A_312 : vector<16xi32>
        %broadcast_in_dim3A_314 = vector.broadcast %reduce_sum3A_310 : f32 to vector<16xf32>
        %select_n3A_315 = arith.select %eq3A_313, %broadcast_in_dim3A_314, %select_n3A_285 : vector<16xi1>, vector<16xf32>
        %mul3A_316 = arith.constant 16 : i32
        %mul3A_317 = arith.muli %scan3A_228, %mul3A_316 : i32
        %add3A_318 = arith.constant 2 : i32
        %add3A_319 = arith.addi %mul3A_317, %add3A_318 : i32
        %slice3A_320 = vector.extract_strided_slice %select_n3A {offsets = [2], sizes = [1], strides = [1]} : vector<16xi32> to vector<1xi32>
        %squeeze3A_321 = vector.extract %slice3A_320[0] : i32 from vector<1xi32>
        %get3A_322 = arith.index_cast %squeeze3A_321 : i32 to index
        %get3A_323 = arith.constant 0 : index
        %get3A_324 = tpu.vector_load %arg6[%get3A_322, %get3A_323] {strides = array<i32>} : memref<512x32xf32, #tpu.memory_space<vmem>>, vector<16xf32>,
        %get3A_325 = arith.index_cast %squeeze3A_321 : i32 to index
        %get3A_326 = arith.constant 16 : index
        %get3A_327 = tpu.vector_load %arg6[%get3A_325, %get3A_326] {strides = array<i32>} : memref<512x32xf32, #tpu.memory_space<vmem>>, vector<16xf32>,
        %get3A_328 = arith.index_cast %add3A_319 : i32 to index
        %get3A_329 = arith.constant 0 : index
        %get3A_330 = tpu.vector_load %arg9[%get3A_328, %get3A_329] {strides = array<i32>} : memref<512x32xf32, #tpu.memory_space<vmem>>, vector<16xf32>,
        %get3A_331 = arith.index_cast %add3A_319 : i32 to index
        %get3A_332 = arith.constant 16 : index
        %get3A_333 = tpu.vector_load %arg9[%get3A_331, %get3A_332] {strides = array<i32>} : memref<512x32xf32, #tpu.memory_space<vmem>>, vector<16xf32>,
        %mul3A_334 = arith.mulf %get3A_330, %get3A_324 : vector<16xf32>
        %mul3A_335 = arith.mulf %get3A_333, %get3A_327 : vector<16xf32>
        %add3A_336 = arith.addf %mul3A_334, %mul3A_335 : vector<16xf32>
        %reduce_sum3A_337 = arith.constant true
        %reduce_sum3A_338 = vector.broadcast %reduce_sum3A_337 : i1 to vector<16xi1>
        %reduce_sum3A_339 = tpu.scan <sum>, %add3A_336 masked %reduce_sum3A_338 : vector<16xf32>, vector<16xi1> -> vector<16xf32>
        %reduce_sum3A_340 = vector.extract %reduce_sum3A_339[15] : f32 from vector<16xf32>
        %eq3A_341 = arith.constant 2 : i32
        %eq3A_342 = vector.broadcast %eq3A_341 : i32 to vector<16xi32>
        %eq3A_343 = arith.cmpi eq, %iota3A, %eq3A_342 : vector<16xi32>
        %broadcast_in_dim3A_344 = vector.broadcast %reduce_sum3A_340 : f32 to vector<16xf32>
        %select_n3A_345 = arith.select %eq3A_343, %broadcast_in_dim3A_344, %select_n3A_315 : vector<16xi1>, vector<16xf32>
        %mul3A_346 = arith.constant 16 : i32
        %mul3A_347 = arith.muli %scan3A_228, %mul3A_346 : i32
        %add3A_348 = arith.constant 3 : i32
        %add3A_349 = arith.addi %mul3A_347, %add3A_348 : i32
        %slice3A_350 = vector.extract_strided_slice %select_n3A {offsets = [3], sizes = [1], strides = [1]} : vector<16xi32> to vector<1xi32>
        %squeeze3A_351 = vector.extract %slice3A_350[0] : i32 from vector<1xi32>
        %get3A_352 = arith.index_cast %squeeze3A_351 : i32 to index
        %get3A_353 = arith.constant 0 : index
        %get3A_354 = tpu.vector_load %arg6[%get3A_352, %get3A_353] {strides = array<i32>} : memref<512x32xf32, #tpu.memory_space<vmem>>, vector<16xf32>,
        %get3A_355 = arith.index_cast %squeeze3A_351 : i32 to index
        %get3A_356 = arith.constant 16 : index
        %get3A_357 = tpu.vector_load %arg6[%get3A_355, %get3A_356] {strides = array<i32>} : memref<512x32xf32, #tpu.memory_space<vmem>>, vector<16xf32>,
        %get3A_358 = arith.index_cast %add3A_349 : i32 to index
        %get3A_359 = arith.constant 0 : index
        %get3A_360 = tpu.vector_load %arg9[%get3A_358, %get3A_359] {strides = array<i32>} : memref<512x32xf32, #tpu.memory_space<vmem>>, vector<16xf32>,
        %get3A_361 = arith.index_cast %add3A_349 : i32 to index
        %get3A_362 = arith.constant 16 : index
        %get3A_363 = tpu.vector_load %arg9[%get3A_361, %get3A_362] {strides = array<i32>} : memref<512x32xf32, #tpu.memory_space<vmem>>, vector<16xf32>,
        %mul3A_364 = arith.mulf %get3A_360, %get3A_354 : vector<16xf32>
        %mul3A_365 = arith.mulf %get3A_363, %get3A_357 : vector<16xf32>
        %add3A_366 = arith.addf %mul3A_364, %mul3A_365 : vector<16xf32>
        %reduce_sum3A_367 = arith.constant true
        %reduce_sum3A_368 = vector.broadcast %reduce_sum3A_367 : i1 to vector<16xi1>
        %reduce_sum3A_369 = tpu.scan <sum>, %add3A_366 masked %reduce_sum3A_368 : vector<16xf32>, vector<16xi1> -> vector<16xf32>
        %reduce_sum3A_370 = vector.extract %reduce_sum3A_369[15] : f32 from vector<16xf32>
        %eq3A_371 = arith.constant 3 : i32
        %eq3A_372 = vector.broadcast %eq3A_371 : i32 to vector<16xi32>
        %eq3A_373 = arith.cmpi eq, %iota3A, %eq3A_372 : vector<16xi32>
        %broadcast_in_dim3A_374 = vector.broadcast %reduce_sum3A_370 : f32 to vector<16xf32>
        %select_n3A_375 = arith.select %eq3A_373, %broadcast_in_dim3A_374, %select_n3A_345 : vector<16xi1>, vector<16xf32>
        %mul3A_376 = arith.constant 16 : i32
        %mul3A_377 = arith.muli %scan3A_228, %mul3A_376 : i32
        %add3A_378 = arith.constant 4 : i32
        %add3A_379 = arith.addi %mul3A_377, %add3A_378 : i32
        %slice3A_380 = vector.extract_strided_slice %select_n3A {offsets = [4], sizes = [1], strides = [1]} : vector<16xi32> to vector<1xi32>
        %squeeze3A_381 = vector.extract %slice3A_380[0] : i32 from vector<1xi32>
        %get3A_382 = arith.index_cast %squeeze3A_381 : i32 to index
        %get3A_383 = arith.constant 0 : index
        %get3A_384 = tpu.vector_load %arg6[%get3A_382, %get3A_383] {strides = array<i32>} : memref<512x32xf32, #tpu.memory_space<vmem>>, vector<16xf32>,
        %get3A_385 = arith.index_cast %squeeze3A_381 : i32 to index
        %get3A_386 = arith.constant 16 : index
        %get3A_387 = tpu.vector_load %arg6[%get3A_385, %get3A_386] {strides = array<i32>} : memref<512x32xf32, #tpu.memory_space<vmem>>, vector<16xf32>,
        %get3A_388 = arith.index_cast %add3A_379 : i32 to index
        %get3A_389 = arith.constant 0 : index
        %get3A_390 = tpu.vector_load %arg9[%get3A_388, %get3A_389] {strides = array<i32>} : memref<512x32xf32, #tpu.memory_space<vmem>>, vector<16xf32>,
        %get3A_391 = arith.index_cast %add3A_379 : i32 to index
        %get3A_392 = arith.constant 16 : index
        %get3A_393 = tpu.vector_load %arg9[%get3A_391, %get3A_392] {strides = array<i32>} : memref<512x32xf32, #tpu.memory_space<vmem>>, vector<16xf32>,
        %mul3A_394 = arith.mulf %get3A_390, %get3A_384 : vector<16xf32>
        %mul3A_395 = arith.mulf %get3A_393, %get3A_387 : vector<16xf32>
        %add3A_396 = arith.addf %mul3A_394, %mul3A_395 : vector<16xf32>
        %reduce_sum3A_397 = arith.constant true
        %reduce_sum3A_398 = vector.broadcast %reduce_sum3A_397 : i1 to vector<16xi1>
        %reduce_sum3A_399 = tpu.scan <sum>, %add3A_396 masked %reduce_sum3A_398 : vector<16xf32>, vector<16xi1> -> vector<16xf32>
        %reduce_sum3A_400 = vector.extract %reduce_sum3A_399[15] : f32 from vector<16xf32>
        %eq3A_401 = arith.constant 4 : i32
        %eq3A_402 = vector.broadcast %eq3A_401 : i32 to vector<16xi32>
        %eq3A_403 = arith.cmpi eq, %iota3A, %eq3A_402 : vector<16xi32>
        %broadcast_in_dim3A_404 = vector.broadcast %reduce_sum3A_400 : f32 to vector<16xf32>
        %select_n3A_405 = arith.select %eq3A_403, %broadcast_in_dim3A_404, %select_n3A_375 : vector<16xi1>, vector<16xf32>
        %mul3A_406 = arith.constant 16 : i32
        %mul3A_407 = arith.muli %scan3A_228, %mul3A_406 : i32
        %add3A_408 = arith.constant 5 : i32
        %add3A_409 = arith.addi %mul3A_407, %add3A_408 : i32
        %slice3A_410 = vector.extract_strided_slice %select_n3A {offsets = [5], sizes = [1], strides = [1]} : vector<16xi32> to vector<1xi32>
        %squeeze3A_411 = vector.extract %slice3A_410[0] : i32 from vector<1xi32>
        %get3A_412 = arith.index_cast %squeeze3A_411 : i32 to index
        %get3A_413 = arith.constant 0 : index
        %get3A_414 = tpu.vector_load %arg6[%get3A_412, %get3A_413] {strides = array<i32>} : memref<512x32xf32, #tpu.memory_space<vmem>>, vector<16xf32>,
        %get3A_415 = arith.index_cast %squeeze3A_411 : i32 to index
        %get3A_416 = arith.constant 16 : index
        %get3A_417 = tpu.vector_load %arg6[%get3A_415, %get3A_416] {strides = array<i32>} : memref<512x32xf32, #tpu.memory_space<vmem>>, vector<16xf32>,
        %get3A_418 = arith.index_cast %add3A_409 : i32 to index
        %get3A_419 = arith.constant 0 : index
        %get3A_420 = tpu.vector_load %arg9[%get3A_418, %get3A_419] {strides = array<i32>} : memref<512x32xf32, #tpu.memory_space<vmem>>, vector<16xf32>,
        %get3A_421 = arith.index_cast %add3A_409 : i32 to index
        %get3A_422 = arith.constant 16 : index
        %get3A_423 = tpu.vector_load %arg9[%get3A_421, %get3A_422] {strides = array<i32>} : memref<512x32xf32, #tpu.memory_space<vmem>>, vector<16xf32>,
        %mul3A_424 = arith.mulf %get3A_420, %get3A_414 : vector<16xf32>
        %mul3A_425 = arith.mulf %get3A_423, %get3A_417 : vector<16xf32>
        %add3A_426 = arith.addf %mul3A_424, %mul3A_425 : vector<16xf32>
        %reduce_sum3A_427 = arith.constant true
        %reduce_sum3A_428 = vector.broadcast %reduce_sum3A_427 : i1 to vector<16xi1>
        %reduce_sum3A_429 = tpu.scan <sum>, %add3A_426 masked %reduce_sum3A_428 : vector<16xf32>, vector<16xi1> -> vector<16xf32>
        %reduce_sum3A_430 = vector.extract %reduce_sum3A_429[15] : f32 from vector<16xf32>
        %eq3A_431 = arith.constant 5 : i32
        %eq3A_432 = vector.broadcast %eq3A_431 : i32 to vector<16xi32>
        %eq3A_433 = arith.cmpi eq, %iota3A, %eq3A_432 : vector<16xi32>
        %broadcast_in_dim3A_434 = vector.broadcast %reduce_sum3A_430 : f32 to vector<16xf32>
        %select_n3A_435 = arith.select %eq3A_433, %broadcast_in_dim3A_434, %select_n3A_405 : vector<16xi1>, vector<16xf32>
        %mul3A_436 = arith.constant 16 : i32
        %mul3A_437 = arith.muli %scan3A_228, %mul3A_436 : i32
        %add3A_438 = arith.constant 6 : i32
        %add3A_439 = arith.addi %mul3A_437, %add3A_438 : i32
        %slice3A_440 = vector.extract_strided_slice %select_n3A {offsets = [6], sizes = [1], strides = [1]} : vector<16xi32> to vector<1xi32>
        %squeeze3A_441 = vector.extract %slice3A_440[0] : i32 from vector<1xi32>
        %get3A_442 = arith.index_cast %squeeze3A_441 : i32 to index
        %get3A_443 = arith.constant 0 : index
        %get3A_444 = tpu.vector_load %arg6[%get3A_442, %get3A_443] {strides = array<i32>} : memref<512x32xf32, #tpu.memory_space<vmem>>, vector<16xf32>,
        %get3A_445 = arith.index_cast %squeeze3A_441 : i32 to index
        %get3A_446 = arith.constant 16 : index
        %get3A_447 = tpu.vector_load %arg6[%get3A_445, %get3A_446] {strides = array<i32>} : memref<512x32xf32, #tpu.memory_space<vmem>>, vector<16xf32>,
        %get3A_448 = arith.index_cast %add3A_439 : i32 to index
        %get3A_449 = arith.constant 0 : index
        %get3A_450 = tpu.vector_load %arg9[%get3A_448, %get3A_449] {strides = array<i32>} : memref<512x32xf32, #tpu.memory_space<vmem>>, vector<16xf32>,
        %get3A_451 = arith.index_cast %add3A_439 : i32 to index
        %get3A_452 = arith.constant 16 : index
        %get3A_453 = tpu.vector_load %arg9[%get3A_451, %get3A_452] {strides = array<i32>} : memref<512x32xf32, #tpu.memory_space<vmem>>, vector<16xf32>,
        %mul3A_454 = arith.mulf %get3A_450, %get3A_444 : vector<16xf32>
        %mul3A_455 = arith.mulf %get3A_453, %get3A_447 : vector<16xf32>
        %add3A_456 = arith.addf %mul3A_454, %mul3A_455 : vector<16xf32>
        %reduce_sum3A_457 = arith.constant true
        %reduce_sum3A_458 = vector.broadcast %reduce_sum3A_457 : i1 to vector<16xi1>
        %reduce_sum3A_459 = tpu.scan <sum>, %add3A_456 masked %reduce_sum3A_458 : vector<16xf32>, vector<16xi1> -> vector<16xf32>
        %reduce_sum3A_460 = vector.extract %reduce_sum3A_459[15] : f32 from vector<16xf32>
        %eq3A_461 = arith.constant 6 : i32
        %eq3A_462 = vector.broadcast %eq3A_461 : i32 to vector<16xi32>
        %eq3A_463 = arith.cmpi eq, %iota3A, %eq3A_462 : vector<16xi32>
        %broadcast_in_dim3A_464 = vector.broadcast %reduce_sum3A_460 : f32 to vector<16xf32>
        %select_n3A_465 = arith.select %eq3A_463, %broadcast_in_dim3A_464, %select_n3A_435 : vector<16xi1>, vector<16xf32>
        %mul3A_466 = arith.constant 16 : i32
        %mul3A_467 = arith.muli %scan3A_228, %mul3A_466 : i32
        %add3A_468 = arith.constant 7 : i32
        %add3A_469 = arith.addi %mul3A_467, %add3A_468 : i32
        %slice3A_470 = vector.extract_strided_slice %select_n3A {offsets = [7], sizes = [1], strides = [1]} : vector<16xi32> to vector<1xi32>
        %squeeze3A_471 = vector.extract %slice3A_470[0] : i32 from vector<1xi32>
        %get3A_472 = arith.index_cast %squeeze3A_471 : i32 to index
        %get3A_473 = arith.constant 0 : index
        %get3A_474 = tpu.vector_load %arg6[%get3A_472, %get3A_473] {strides = array<i32>} : memref<512x32xf32, #tpu.memory_space<vmem>>, vector<16xf32>,
        %get3A_475 = arith.index_cast %squeeze3A_471 : i32 to index
        %get3A_476 = arith.constant 16 : index
        %get3A_477 = tpu.vector_load %arg6[%get3A_475, %get3A_476] {strides = array<i32>} : memref<512x32xf32, #tpu.memory_space<vmem>>, vector<16xf32>,
        %get3A_478 = arith.index_cast %add3A_469 : i32 to index
        %get3A_479 = arith.constant 0 : index
        %get3A_480 = tpu.vector_load %arg9[%get3A_478, %get3A_479] {strides = array<i32>} : memref<512x32xf32, #tpu.memory_space<vmem>>, vector<16xf32>,
        %get3A_481 = arith.index_cast %add3A_469 : i32 to index
        %get3A_482 = arith.constant 16 : index
        %get3A_483 = tpu.vector_load %arg9[%get3A_481, %get3A_482] {strides = array<i32>} : memref<512x32xf32, #tpu.memory_space<vmem>>, vector<16xf32>,
        %mul3A_484 = arith.mulf %get3A_480, %get3A_474 : vector<16xf32>
        %mul3A_485 = arith.mulf %get3A_483, %get3A_477 : vector<16xf32>
        %add3A_486 = arith.addf %mul3A_484, %mul3A_485 : vector<16xf32>
        %reduce_sum3A_487 = arith.constant true
        %reduce_sum3A_488 = vector.broadcast %reduce_sum3A_487 : i1 to vector<16xi1>
        %reduce_sum3A_489 = tpu.scan <sum>, %add3A_486 masked %reduce_sum3A_488 : vector<16xf32>, vector<16xi1> -> vector<16xf32>
        %reduce_sum3A_490 = vector.extract %reduce_sum3A_489[15] : f32 from vector<16xf32>
        %eq3A_491 = arith.constant 7 : i32
        %eq3A_492 = vector.broadcast %eq3A_491 : i32 to vector<16xi32>
        %eq3A_493 = arith.cmpi eq, %iota3A, %eq3A_492 : vector<16xi32>
        %broadcast_in_dim3A_494 = vector.broadcast %reduce_sum3A_490 : f32 to vector<16xf32>
        %select_n3A_495 = arith.select %eq3A_493, %broadcast_in_dim3A_494, %select_n3A_465 : vector<16xi1>, vector<16xf32>
        %mul3A_496 = arith.constant 16 : i32
        %mul3A_497 = arith.muli %scan3A_228, %mul3A_496 : i32
        %add3A_498 = arith.constant 8 : i32
        %add3A_499 = arith.addi %mul3A_497, %add3A_498 : i32
        %slice3A_500 = vector.extract_strided_slice %select_n3A {offsets = [8], sizes = [1], strides = [1]} : vector<16xi32> to vector<1xi32>
        %squeeze3A_501 = vector.extract %slice3A_500[0] : i32 from vector<1xi32>
        %get3A_502 = arith.index_cast %squeeze3A_501 : i32 to index
        %get3A_503 = arith.constant 0 : index
        %get3A_504 = tpu.vector_load %arg6[%get3A_502, %get3A_503] {strides = array<i32>} : memref<512x32xf32, #tpu.memory_space<vmem>>, vector<16xf32>,
        %get3A_505 = arith.index_cast %squeeze3A_501 : i32 to index
        %get3A_506 = arith.constant 16 : index
        %get3A_507 = tpu.vector_load %arg6[%get3A_505, %get3A_506] {strides = array<i32>} : memref<512x32xf32, #tpu.memory_space<vmem>>, vector<16xf32>,
        %get3A_508 = arith.index_cast %add3A_499 : i32 to index
        %get3A_509 = arith.constant 0 : index
        %get3A_510 = tpu.vector_load %arg9[%get3A_508, %get3A_509] {strides = array<i32>} : memref<512x32xf32, #tpu.memory_space<vmem>>, vector<16xf32>,
        %get3A_511 = arith.index_cast %add3A_499 : i32 to index
        %get3A_512 = arith.constant 16 : index
        %get3A_513 = tpu.vector_load %arg9[%get3A_511, %get3A_512] {strides = array<i32>} : memref<512x32xf32, #tpu.memory_space<vmem>>, vector<16xf32>,
        %mul3A_514 = arith.mulf %get3A_510, %get3A_504 : vector<16xf32>
        %mul3A_515 = arith.mulf %get3A_513, %get3A_507 : vector<16xf32>
        %add3A_516 = arith.addf %mul3A_514, %mul3A_515 : vector<16xf32>
        %reduce_sum3A_517 = arith.constant true
        %reduce_sum3A_518 = vector.broadcast %reduce_sum3A_517 : i1 to vector<16xi1>
        %reduce_sum3A_519 = tpu.scan <sum>, %add3A_516 masked %reduce_sum3A_518 : vector<16xf32>, vector<16xi1> -> vector<16xf32>
        %reduce_sum3A_520 = vector.extract %reduce_sum3A_519[15] : f32 from vector<16xf32>
        %eq3A_521 = arith.constant 8 : i32
        %eq3A_522 = vector.broadcast %eq3A_521 : i32 to vector<16xi32>
        %eq3A_523 = arith.cmpi eq, %iota3A, %eq3A_522 : vector<16xi32>
        %broadcast_in_dim3A_524 = vector.broadcast %reduce_sum3A_520 : f32 to vector<16xf32>
        %select_n3A_525 = arith.select %eq3A_523, %broadcast_in_dim3A_524, %select_n3A_495 : vector<16xi1>, vector<16xf32>
        %mul3A_526 = arith.constant 16 : i32
        %mul3A_527 = arith.muli %scan3A_228, %mul3A_526 : i32
        %add3A_528 = arith.constant 9 : i32
        %add3A_529 = arith.addi %mul3A_527, %add3A_528 : i32
        %slice3A_530 = vector.extract_strided_slice %select_n3A {offsets = [9], sizes = [1], strides = [1]} : vector<16xi32> to vector<1xi32>
        %squeeze3A_531 = vector.extract %slice3A_530[0] : i32 from vector<1xi32>
        %get3A_532 = arith.index_cast %squeeze3A_531 : i32 to index
        %get3A_533 = arith.constant 0 : index
        %get3A_534 = tpu.vector_load %arg6[%get3A_532, %get3A_533] {strides = array<i32>} : memref<512x32xf32, #tpu.memory_space<vmem>>, vector<16xf32>,
        %get3A_535 = arith.index_cast %squeeze3A_531 : i32 to index
        %get3A_536 = arith.constant 16 : index
        %get3A_537 = tpu.vector_load %arg6[%get3A_535, %get3A_536] {strides = array<i32>} : memref<512x32xf32, #tpu.memory_space<vmem>>, vector<16xf32>,
        %get3A_538 = arith.index_cast %add3A_529 : i32 to index
        %get3A_539 = arith.constant 0 : index
        %get3A_540 = tpu.vector_load %arg9[%get3A_538, %get3A_539] {strides = array<i32>} : memref<512x32xf32, #tpu.memory_space<vmem>>, vector<16xf32>,
        %get3A_541 = arith.index_cast %add3A_529 : i32 to index
        %get3A_542 = arith.constant 16 : index
        %get3A_543 = tpu.vector_load %arg9[%get3A_541, %get3A_542] {strides = array<i32>} : memref<512x32xf32, #tpu.memory_space<vmem>>, vector<16xf32>,
        %mul3A_544 = arith.mulf %get3A_540, %get3A_534 : vector<16xf32>
        %mul3A_545 = arith.mulf %get3A_543, %get3A_537 : vector<16xf32>
        %add3A_546 = arith.addf %mul3A_544, %mul3A_545 : vector<16xf32>
        %reduce_sum3A_547 = arith.constant true
        %reduce_sum3A_548 = vector.broadcast %reduce_sum3A_547 : i1 to vector<16xi1>
        %reduce_sum3A_549 = tpu.scan <sum>, %add3A_546 masked %reduce_sum3A_548 : vector<16xf32>, vector<16xi1> -> vector<16xf32>
        %reduce_sum3A_550 = vector.extract %reduce_sum3A_549[15] : f32 from vector<16xf32>
        %eq3A_551 = arith.constant 9 : i32
        %eq3A_552 = vector.broadcast %eq3A_551 : i32 to vector<16xi32>
        %eq3A_553 = arith.cmpi eq, %iota3A, %eq3A_552 : vector<16xi32>
        %broadcast_in_dim3A_554 = vector.broadcast %reduce_sum3A_550 : f32 to vector<16xf32>
        %select_n3A_555 = arith.select %eq3A_553, %broadcast_in_dim3A_554, %select_n3A_525 : vector<16xi1>, vector<16xf32>
        %mul3A_556 = arith.constant 16 : i32
        %mul3A_557 = arith.muli %scan3A_228, %mul3A_556 : i32
        %add3A_558 = arith.constant 10 : i32
        %add3A_559 = arith.addi %mul3A_557, %add3A_558 : i32
        %slice3A_560 = vector.extract_strided_slice %select_n3A {offsets = [10], sizes = [1], strides = [1]} : vector<16xi32> to vector<1xi32>
        %squeeze3A_561 = vector.extract %slice3A_560[0] : i32 from vector<1xi32>
        %get3A_562 = arith.index_cast %squeeze3A_561 : i32 to index
        %get3A_563 = arith.constant 0 : index
        %get3A_564 = tpu.vector_load %arg6[%get3A_562, %get3A_563] {strides = array<i32>} : memref<512x32xf32, #tpu.memory_space<vmem>>, vector<16xf32>,
        %get3A_565 = arith.index_cast %squeeze3A_561 : i32 to index
        %get3A_566 = arith.constant 16 : index
        %get3A_567 = tpu.vector_load %arg6[%get3A_565, %get3A_566] {strides = array<i32>} : memref<512x32xf32, #tpu.memory_space<vmem>>, vector<16xf32>,
        %get3A_568 = arith.index_cast %add3A_559 : i32 to index
        %get3A_569 = arith.constant 0 : index
        %get3A_570 = tpu.vector_load %arg9[%get3A_568, %get3A_569] {strides = array<i32>} : memref<512x32xf32, #tpu.memory_space<vmem>>, vector<16xf32>,
        %get3A_571 = arith.index_cast %add3A_559 : i32 to index
        %get3A_572 = arith.constant 16 : index
        %get3A_573 = tpu.vector_load %arg9[%get3A_571, %get3A_572] {strides = array<i32>} : memref<512x32xf32, #tpu.memory_space<vmem>>, vector<16xf32>,
        %mul3A_574 = arith.mulf %get3A_570, %get3A_564 : vector<16xf32>
        %mul3A_575 = arith.mulf %get3A_573, %get3A_567 : vector<16xf32>
        %add3A_576 = arith.addf %mul3A_574, %mul3A_575 : vector<16xf32>
        %reduce_sum3A_577 = arith.constant true
        %reduce_sum3A_578 = vector.broadcast %reduce_sum3A_577 : i1 to vector<16xi1>
        %reduce_sum3A_579 = tpu.scan <sum>, %add3A_576 masked %reduce_sum3A_578 : vector<16xf32>, vector<16xi1> -> vector<16xf32>
        %reduce_sum3A_580 = vector.extract %reduce_sum3A_579[15] : f32 from vector<16xf32>
        %eq3A_581 = arith.constant 10 : i32
        %eq3A_582 = vector.broadcast %eq3A_581 : i32 to vector<16xi32>
        %eq3A_583 = arith.cmpi eq, %iota3A, %eq3A_582 : vector<16xi32>
        %broadcast_in_dim3A_584 = vector.broadcast %reduce_sum3A_580 : f32 to vector<16xf32>
        %select_n3A_585 = arith.select %eq3A_583, %broadcast_in_dim3A_584, %select_n3A_555 : vector<16xi1>, vector<16xf32>
        %mul3A_586 = arith.constant 16 : i32
        %mul3A_587 = arith.muli %scan3A_228, %mul3A_586 : i32
        %add3A_588 = arith.constant 11 : i32
        %add3A_589 = arith.addi %mul3A_587, %add3A_588 : i32
        %slice3A_590 = vector.extract_strided_slice %select_n3A {offsets = [11], sizes = [1], strides = [1]} : vector<16xi32> to vector<1xi32>
        %squeeze3A_591 = vector.extract %slice3A_590[0] : i32 from vector<1xi32>
        %get3A_592 = arith.index_cast %squeeze3A_591 : i32 to index
        %get3A_593 = arith.constant 0 : index
        %get3A_594 = tpu.vector_load %arg6[%get3A_592, %get3A_593] {strides = array<i32>} : memref<512x32xf32, #tpu.memory_space<vmem>>, vector<16xf32>,
        %get3A_595 = arith.index_cast %squeeze3A_591 : i32 to index
        %get3A_596 = arith.constant 16 : index
        %get3A_597 = tpu.vector_load %arg6[%get3A_595, %get3A_596] {strides = array<i32>} : memref<512x32xf32, #tpu.memory_space<vmem>>, vector<16xf32>,
        %get3A_598 = arith.index_cast %add3A_589 : i32 to index
        %get3A_599 = arith.constant 0 : index
        %get3A_600 = tpu.vector_load %arg9[%get3A_598, %get3A_599] {strides = array<i32>} : memref<512x32xf32, #tpu.memory_space<vmem>>, vector<16xf32>,
        %get3A_601 = arith.index_cast %add3A_589 : i32 to index
        %get3A_602 = arith.constant 16 : index
        %get3A_603 = tpu.vector_load %arg9[%get3A_601, %get3A_602] {strides = array<i32>} : memref<512x32xf32, #tpu.memory_space<vmem>>, vector<16xf32>,
        %mul3A_604 = arith.mulf %get3A_600, %get3A_594 : vector<16xf32>
        %mul3A_605 = arith.mulf %get3A_603, %get3A_597 : vector<16xf32>
        %add3A_606 = arith.addf %mul3A_604, %mul3A_605 : vector<16xf32>
        %reduce_sum3A_607 = arith.constant true
        %reduce_sum3A_608 = vector.broadcast %reduce_sum3A_607 : i1 to vector<16xi1>
        %reduce_sum3A_609 = tpu.scan <sum>, %add3A_606 masked %reduce_sum3A_608 : vector<16xf32>, vector<16xi1> -> vector<16xf32>
        %reduce_sum3A_610 = vector.extract %reduce_sum3A_609[15] : f32 from vector<16xf32>
        %eq3A_611 = arith.constant 11 : i32
        %eq3A_612 = vector.broadcast %eq3A_611 : i32 to vector<16xi32>
        %eq3A_613 = arith.cmpi eq, %iota3A, %eq3A_612 : vector<16xi32>
        %broadcast_in_dim3A_614 = vector.broadcast %reduce_sum3A_610 : f32 to vector<16xf32>
        %select_n3A_615 = arith.select %eq3A_613, %broadcast_in_dim3A_614, %select_n3A_585 : vector<16xi1>, vector<16xf32>
        %mul3A_616 = arith.constant 16 : i32
        %mul3A_617 = arith.muli %scan3A_228, %mul3A_616 : i32
        %add3A_618 = arith.constant 12 : i32
        %add3A_619 = arith.addi %mul3A_617, %add3A_618 : i32
        %slice3A_620 = vector.extract_strided_slice %select_n3A {offsets = [12], sizes = [1], strides = [1]} : vector<16xi32> to vector<1xi32>
        %squeeze3A_621 = vector.extract %slice3A_620[0] : i32 from vector<1xi32>
        %get3A_622 = arith.index_cast %squeeze3A_621 : i32 to index
        %get3A_623 = arith.constant 0 : index
        %get3A_624 = tpu.vector_load %arg6[%get3A_622, %get3A_623] {strides = array<i32>} : memref<512x32xf32, #tpu.memory_space<vmem>>, vector<16xf32>,
        %get3A_625 = arith.index_cast %squeeze3A_621 : i32 to index
        %get3A_626 = arith.constant 16 : index
        %get3A_627 = tpu.vector_load %arg6[%get3A_625, %get3A_626] {strides = array<i32>} : memref<512x32xf32, #tpu.memory_space<vmem>>, vector<16xf32>,
        %get3A_628 = arith.index_cast %add3A_619 : i32 to index
        %get3A_629 = arith.constant 0 : index
        %get3A_630 = tpu.vector_load %arg9[%get3A_628, %get3A_629] {strides = array<i32>} : memref<512x32xf32, #tpu.memory_space<vmem>>, vector<16xf32>,
        %get3A_631 = arith.index_cast %add3A_619 : i32 to index
        %get3A_632 = arith.constant 16 : index
        %get3A_633 = tpu.vector_load %arg9[%get3A_631, %get3A_632] {strides = array<i32>} : memref<512x32xf32, #tpu.memory_space<vmem>>, vector<16xf32>,
        %mul3A_634 = arith.mulf %get3A_630, %get3A_624 : vector<16xf32>
        %mul3A_635 = arith.mulf %get3A_633, %get3A_627 : vector<16xf32>
        %add3A_636 = arith.addf %mul3A_634, %mul3A_635 : vector<16xf32>
        %reduce_sum3A_637 = arith.constant true
        %reduce_sum3A_638 = vector.broadcast %reduce_sum3A_637 : i1 to vector<16xi1>
        %reduce_sum3A_639 = tpu.scan <sum>, %add3A_636 masked %reduce_sum3A_638 : vector<16xf32>, vector<16xi1> -> vector<16xf32>
        %reduce_sum3A_640 = vector.extract %reduce_sum3A_639[15] : f32 from vector<16xf32>
        %eq3A_641 = arith.constant 12 : i32
        %eq3A_642 = vector.broadcast %eq3A_641 : i32 to vector<16xi32>
        %eq3A_643 = arith.cmpi eq, %iota3A, %eq3A_642 : vector<16xi32>
        %broadcast_in_dim3A_644 = vector.broadcast %reduce_sum3A_640 : f32 to vector<16xf32>
        %select_n3A_645 = arith.select %eq3A_643, %broadcast_in_dim3A_644, %select_n3A_615 : vector<16xi1>, vector<16xf32>
        %mul3A_646 = arith.constant 16 : i32
        %mul3A_647 = arith.muli %scan3A_228, %mul3A_646 : i32
        %add3A_648 = arith.constant 13 : i32
        %add3A_649 = arith.addi %mul3A_647, %add3A_648 : i32
        %slice3A_650 = vector.extract_strided_slice %select_n3A {offsets = [13], sizes = [1], strides = [1]} : vector<16xi32> to vector<1xi32>
        %squeeze3A_651 = vector.extract %slice3A_650[0] : i32 from vector<1xi32>
        %get3A_652 = arith.index_cast %squeeze3A_651 : i32 to index
        %get3A_653 = arith.constant 0 : index
        %get3A_654 = tpu.vector_load %arg6[%get3A_652, %get3A_653] {strides = array<i32>} : memref<512x32xf32, #tpu.memory_space<vmem>>, vector<16xf32>,
        %get3A_655 = arith.index_cast %squeeze3A_651 : i32 to index
        %get3A_656 = arith.constant 16 : index
        %get3A_657 = tpu.vector_load %arg6[%get3A_655, %get3A_656] {strides = array<i32>} : memref<512x32xf32, #tpu.memory_space<vmem>>, vector<16xf32>,
        %get3A_658 = arith.index_cast %add3A_649 : i32 to index
        %get3A_659 = arith.constant 0 : index
        %get3A_660 = tpu.vector_load %arg9[%get3A_658, %get3A_659] {strides = array<i32>} : memref<512x32xf32, #tpu.memory_space<vmem>>, vector<16xf32>,
        %get3A_661 = arith.index_cast %add3A_649 : i32 to index
        %get3A_662 = arith.constant 16 : index
        %get3A_663 = tpu.vector_load %arg9[%get3A_661, %get3A_662] {strides = array<i32>} : memref<512x32xf32, #tpu.memory_space<vmem>>, vector<16xf32>,
        %mul3A_664 = arith.mulf %get3A_660, %get3A_654 : vector<16xf32>
        %mul3A_665 = arith.mulf %get3A_663, %get3A_657 : vector<16xf32>
        %add3A_666 = arith.addf %mul3A_664, %mul3A_665 : vector<16xf32>
        %reduce_sum3A_667 = arith.constant true
        %reduce_sum3A_668 = vector.broadcast %reduce_sum3A_667 : i1 to vector<16xi1>
        %reduce_sum3A_669 = tpu.scan <sum>, %add3A_666 masked %reduce_sum3A_668 : vector<16xf32>, vector<16xi1> -> vector<16xf32>
        %reduce_sum3A_670 = vector.extract %reduce_sum3A_669[15] : f32 from vector<16xf32>
        %eq3A_671 = arith.constant 13 : i32
        %eq3A_672 = vector.broadcast %eq3A_671 : i32 to vector<16xi32>
        %eq3A_673 = arith.cmpi eq, %iota3A, %eq3A_672 : vector<16xi32>
        %broadcast_in_dim3A_674 = vector.broadcast %reduce_sum3A_670 : f32 to vector<16xf32>
        %select_n3A_675 = arith.select %eq3A_673, %broadcast_in_dim3A_674, %select_n3A_645 : vector<16xi1>, vector<16xf32>
        %mul3A_676 = arith.constant 16 : i32
        %mul3A_677 = arith.muli %scan3A_228, %mul3A_676 : i32
        %add3A_678 = arith.constant 14 : i32
        %add3A_679 = arith.addi %mul3A_677, %add3A_678 : i32
        %slice3A_680 = vector.extract_strided_slice %select_n3A {offsets = [14], sizes = [1], strides = [1]} : vector<16xi32> to vector<1xi32>
        %squeeze3A_681 = vector.extract %slice3A_680[0] : i32 from vector<1xi32>
        %get3A_682 = arith.index_cast %squeeze3A_681 : i32 to index
        %get3A_683 = arith.constant 0 : index
        %get3A_684 = tpu.vector_load %arg6[%get3A_682, %get3A_683] {strides = array<i32>} : memref<512x32xf32, #tpu.memory_space<vmem>>, vector<16xf32>,
        %get3A_685 = arith.index_cast %squeeze3A_681 : i32 to index
        %get3A_686 = arith.constant 16 : index
        %get3A_687 = tpu.vector_load %arg6[%get3A_685, %get3A_686] {strides = array<i32>} : memref<512x32xf32, #tpu.memory_space<vmem>>, vector<16xf32>,
        %get3A_688 = arith.index_cast %add3A_679 : i32 to index
        %get3A_689 = arith.constant 0 : index
        %get3A_690 = tpu.vector_load %arg9[%get3A_688, %get3A_689] {strides = array<i32>} : memref<512x32xf32, #tpu.memory_space<vmem>>, vector<16xf32>,
        %get3A_691 = arith.index_cast %add3A_679 : i32 to index
        %get3A_692 = arith.constant 16 : index
        %get3A_693 = tpu.vector_load %arg9[%get3A_691, %get3A_692] {strides = array<i32>} : memref<512x32xf32, #tpu.memory_space<vmem>>, vector<16xf32>,
        %mul3A_694 = arith.mulf %get3A_690, %get3A_684 : vector<16xf32>
        %mul3A_695 = arith.mulf %get3A_693, %get3A_687 : vector<16xf32>
        %add3A_696 = arith.addf %mul3A_694, %mul3A_695 : vector<16xf32>
        %reduce_sum3A_697 = arith.constant true
        %reduce_sum3A_698 = vector.broadcast %reduce_sum3A_697 : i1 to vector<16xi1>
        %reduce_sum3A_699 = tpu.scan <sum>, %add3A_696 masked %reduce_sum3A_698 : vector<16xf32>, vector<16xi1> -> vector<16xf32>
        %reduce_sum3A_700 = vector.extract %reduce_sum3A_699[15] : f32 from vector<16xf32>
        %eq3A_701 = arith.constant 14 : i32
        %eq3A_702 = vector.broadcast %eq3A_701 : i32 to vector<16xi32>
        %eq3A_703 = arith.cmpi eq, %iota3A, %eq3A_702 : vector<16xi32>
        %broadcast_in_dim3A_704 = vector.broadcast %reduce_sum3A_700 : f32 to vector<16xf32>
        %select_n3A_705 = arith.select %eq3A_703, %broadcast_in_dim3A_704, %select_n3A_675 : vector<16xi1>, vector<16xf32>
        %mul3A_706 = arith.constant 16 : i32
        %mul3A_707 = arith.muli %scan3A_228, %mul3A_706 : i32
        %add3A_708 = arith.constant 15 : i32
        %add3A_709 = arith.addi %mul3A_707, %add3A_708 : i32
        %slice3A_710 = vector.extract_strided_slice %select_n3A {offsets = [15], sizes = [1], strides = [1]} : vector<16xi32> to vector<1xi32>
        %squeeze3A_711 = vector.extract %slice3A_710[0] : i32 from vector<1xi32>
        %get3A_712 = arith.index_cast %squeeze3A_711 : i32 to index
        %get3A_713 = arith.constant 0 : index
        %get3A_714 = tpu.vector_load %arg6[%get3A_712, %get3A_713] {strides = array<i32>} : memref<512x32xf32, #tpu.memory_space<vmem>>, vector<16xf32>,
        %get3A_715 = arith.index_cast %squeeze3A_711 : i32 to index
        %get3A_716 = arith.constant 16 : index
        %get3A_717 = tpu.vector_load %arg6[%get3A_715, %get3A_716] {strides = array<i32>} : memref<512x32xf32, #tpu.memory_space<vmem>>, vector<16xf32>,
        %get3A_718 = arith.index_cast %add3A_709 : i32 to index
        %get3A_719 = arith.constant 0 : index
        %get3A_720 = tpu.vector_load %arg9[%get3A_718, %get3A_719] {strides = array<i32>} : memref<512x32xf32, #tpu.memory_space<vmem>>, vector<16xf32>,
        %get3A_721 = arith.index_cast %add3A_709 : i32 to index
        %get3A_722 = arith.constant 16 : index
        %get3A_723 = tpu.vector_load %arg9[%get3A_721, %get3A_722] {strides = array<i32>} : memref<512x32xf32, #tpu.memory_space<vmem>>, vector<16xf32>,
        %mul3A_724 = arith.mulf %get3A_720, %get3A_714 : vector<16xf32>
        %mul3A_725 = arith.mulf %get3A_723, %get3A_717 : vector<16xf32>
        %add3A_726 = arith.addf %mul3A_724, %mul3A_725 : vector<16xf32>
        %reduce_sum3A_727 = arith.constant true
        %reduce_sum3A_728 = vector.broadcast %reduce_sum3A_727 : i1 to vector<16xi1>
        %reduce_sum3A_729 = tpu.scan <sum>, %add3A_726 masked %reduce_sum3A_728 : vector<16xf32>, vector<16xi1> -> vector<16xf32>
        %reduce_sum3A_730 = vector.extract %reduce_sum3A_729[15] : f32 from vector<16xf32>
        %eq3A_731 = arith.constant 15 : i32
        %eq3A_732 = vector.broadcast %eq3A_731 : i32 to vector<16xi32>
        %eq3A_733 = arith.cmpi eq, %iota3A, %eq3A_732 : vector<16xi32>
        %broadcast_in_dim3A_734 = vector.broadcast %reduce_sum3A_730 : f32 to vector<16xf32>
        %select_n3A_735 = arith.select %eq3A_733, %broadcast_in_dim3A_734, %select_n3A_705 : vector<16xi1>, vector<16xf32>
        %neg3A = arith.constant 0.000000e+00 : f32
        %neg3A_736 = vector.broadcast %neg3A : f32 to vector<16xf32>
        %neg3A_737 = arith.subf %neg3A_736, %select_n3A_735 : vector<16xf32>
        %mul3A_738 = arith.constant 512 : i32
        %mul3A_739 = arith.muli %add3A_221, %mul3A_738 : i32
        %mul3A_740 = arith.constant 16 : i32
        %mul3A_741 = arith.muli %scan3A_228, %mul3A_740 : i32
        %add3A_742 = arith.addi %mul3A_739, %mul3A_741 : i32
        %swap3A = arith.index_cast %add3A_742 : i32 to index
        %swap3A_743 = tpu.vector_load %arg10[%swap3A] {strides = array<i32>} : memref<25600xf32, #tpu.memory_space<vmem>>, vector<16xf32>,
        tpu.vector_store %arg10[%swap3A], %neg3A_737 {strides = array<i32>} : memref<25600xf32, #tpu.memory_space<vmem>>, vector<16xf32>,
      }
      %scan3A_227 = arith.constant 32 : i32
    }
    %scan3A_136 = arith.constant 25 : i32
    %mul3A_137 = arith.constant 25600 : i32
    %mul3A_138 = arith.muli %add3A, %mul3A_137 : i32
    "tpu.region"() ({
      %run_scoped3A = tpu.sem_alloc : memref<!tpu.dma_semaphore, #tpu.memory_space<semaphore_mem>>
      %dma_start3A_139 = tpu.memref_slice %arg5[%mul3A_138] : memref<819200xf32, #tpu.memory_space<hbm>> -> memref<25600xf32, #tpu.memory_space<hbm>>
      %dma_start3A_140 = tpu.memref_slice %arg5[%mul3A_138] : memref<819200xf32, #tpu.memory_space<hbm>> -> memref<25600xf32, #tpu.memory_space<hbm>>
      tpu.enqueue_dma source(%arg10 : memref<25600xf32, #tpu.memory_space<vmem>>) target(%dma_start3A_140 : memref<25600xf32, #tpu.memory_space<hbm>>) target_semaphore(%run_scoped3A : memref<!tpu.dma_semaphore, #tpu.memory_space<semaphore_mem>>)
      %dma_wait3A_141 = tpu.memref_slice %arg5[%mul3A_138] : memref<819200xf32, #tpu.memory_space<hbm>> -> memref<25600xf32, #tpu.memory_space<hbm>>
      %dma_wait3A_142 = tpu.memref_slice %arg5[%mul3A_138] : memref<819200xf32, #tpu.memory_space<hbm>> -> memref<25600xf32, #tpu.memory_space<hbm>>
      tpu.wait_dma2 semaphore(%run_scoped3A : memref<!tpu.dma_semaphore, #tpu.memory_space<semaphore_mem>>) src(%arg10 : memref<25600xf32, #tpu.memory_space<vmem>>) dst(%dma_wait3A_142 : memref<25600xf32, #tpu.memory_space<hbm>>)
      tpu.yield
    }) : () -> ()
    return
  }
}

module attributes {stable_mosaic.version = 14 : i64} {
  func.func @_tc_body(%arg0: i32, %arg1: memref<2048x50xf32, #tpu.memory_space<vmem>>, %arg2: memref<1x1x2048xf32, #tpu.memory_space<vmem>>) attributes {dimension_semantics = [#tpu.dimension_semantics<arbitrary>], iteration_bounds = array<i64: 8>, scalar_prefetch = 0 : i64, scratch_operands = 0 : i64, tpu.core_type = #tpu.core_type<tc>, window_params = [{transform_indices = @transform_0, window_bounds = array<i64: 2048, 50>}, {transform_indices = @transform_1, window_bounds = array<i64: 1, 1, 2048>}]} {
    %get3A = arith.constant 0 : index
    %get3A_0 = arith.constant 0 : index
    %get3A_1 = vector.load %arg1[%get3A, %get3A_0] : memref<2048x50xf32, #tpu.memory_space<vmem>>, vector<2048x50xf32>
    %max3A = arith.constant 1.000000e+00 : f32
    %max3A_2 = vector.broadcast %max3A : f32 to vector<2048x50xf32>
    %max3A_3 = arith.maximumf %get3A_1, %max3A_2 : vector<2048x50xf32>
    %mul3A = arith.mulf %max3A_3, %max3A_3 : vector<2048x50xf32>
    %sub3A = arith.constant 1.000000e+00 : f32
    %sub3A_4 = vector.broadcast %sub3A : f32 to vector<2048x50xf32>
    %sub3A_5 = arith.subf %mul3A, %sub3A_4 : vector<2048x50xf32>
    %sqrt3A = math.sqrt %sub3A_5 : vector<2048x50xf32>
    %add3A = arith.addf %max3A_3, %sqrt3A : vector<2048x50xf32>
    %log3A = math.log %add3A : vector<2048x50xf32>
    %neg3A = arith.constant 0.000000e+00 : f32
    %neg3A_6 = vector.broadcast %neg3A : f32 to vector<2048x50xf32>
    %neg3A_7 = arith.subf %neg3A_6, %log3A : vector<2048x50xf32>
    %exp3A = math.exp %neg3A_7 : vector<2048x50xf32>
    %reduce_sum3A = arith.constant dense<0.000000e+00> : vector<2048xf32>
    %reduce_sum3A_8 = vector.multi_reduction <add>, %exp3A, %reduce_sum3A [1] : vector<2048x50xf32> to vector<2048xf32>
    %add3A_9 = arith.constant 9.99999997E-7 : f32
    %add3A_10 = vector.broadcast %add3A_9 : f32 to vector<2048xf32>
    %add3A_11 = arith.addf %reduce_sum3A_8, %add3A_10 : vector<2048xf32>
    %log3A_12 = math.log %add3A_11 : vector<2048xf32>
    %slice3A = vector.extract_strided_slice %neg3A_7 {offsets = [0, 0], sizes = [2048, 1], strides = [1, 1]} : vector<2048x50xf32> to vector<2048x1xf32>
    %squeeze3A = vector.shape_cast %slice3A : vector<2048x1xf32> to vector<2048xf32>
    %sub3A_13 = arith.subf %log3A_12, %squeeze3A : vector<2048xf32>
    %broadcast_in_dim3A = vector.shape_cast %sub3A_13 : vector<2048xf32> to vector<1x1x2048xf32>
    %swap3A = arith.constant 0 : index
    %swap3A_14 = arith.constant 0 : index
    %swap3A_15 = arith.constant 0 : index
    %swap3A_16 = vector.load %arg2[%swap3A, %swap3A_14, %swap3A_15] : memref<1x1x2048xf32, #tpu.memory_space<vmem>>, vector<1x1x2048xf32>
    tpu.vector_store %arg2[%swap3A, %swap3A_14, %swap3A_15], %broadcast_in_dim3A {strides = array<i32>} : memref<1x1x2048xf32, #tpu.memory_space<vmem>>, vector<1x1x2048xf32>,
    return
  }
  func.func @transform_0(%arg0: i32) -> (i32, i32) {
    %c0_i32 = arith.constant 0 : i32
    %c0_i32_0 = arith.constant 0 : i32
    return %arg0, %c0_i32 : i32, i32
  }
  func.func @transform_1(%arg0: i32) -> (i32, i32, i32) {
    %c0_i32 = arith.constant 0 : i32
    %c0_i32_0 = arith.constant 0 : i32
    %c0_i32_1 = arith.constant 0 : i32
    return %arg0, %c0_i32, %c0_i32_0 : i32, i32, i32
  }
}

</mosaic_0001>

<sc_bundles>
// kernel: kernel.4.cloned.1.call-start
scs
__scs_entry_jumppad:
0x0: {  	(pc) =	sbr.rel $0x88, $3  }
0x1: {  	(tag) =	ssettag $0x0;
	lr =	simm.s32 $0x1  }
0x2: {  	[smem:$0x3F9E] =	sst lr;
	_ =	strace $0xD0000000  }
0x3: {  	_ = 	snop  }
0x4: {  	_ = 	snop  }
0x5: {  	_ = 	snop  }
0x6: {  	_ = 	snop  }
0x7: {  	_ = 	snop  }
__scs_overlays_trampoline_lowered:
0x8: {  	[smem:$0x3FAD] =	sst s0  }
0x9: {  	[smem:$0x3FAE] =	sst s1  }
0xa: {  	[smem:$0x3FAF] =	sst s2  }
0xb: {  	[smem:$0x3FB0] =	sst s3  }
0xc: {  	[smem:$0x3FB1] =	sst s4  }
0xd: {  	[smem:$0x3FB2] =	sst s5  }
0xe: {  	[smem:$0x3FB3] =	sst s6  }
0xf: {  	[smem:$0x3FB4] =	sst s7  }
0x10: {  	[smem:$0x3FB5] =	sst s8  }
0x11: {  	[smem:$0x3FB6] =	sst s9;
	s0 =	simm.s32 @!p0 $0x0  }
0x12: {  	s1 =	sld [smem:$0x3F9C];
	s0 =	simm.s32 @p0 $0x1  }
0x13: {  	[smem:$0x3FB7] =	sst s0;
	s0 =	simm.s32 @!p1 $0x0  }
0x14: {  	s2 =	sld [smem:$0x3F9B];
	s0 =	simm.s32 @p1 $0x1  }
0x15: {  	[smem:$0x3FB8] =	sst s0;
	s0 =	simm.s32 @!p2 $0x0  }
0x16: {  	s3 =	sld [smem:$0x3FDB];
	s0 =	simm.s32 @p2 $0x1  }
0x17: {  	s4 =	simm.s32 $0x1BF5;
	[smem:$0x3FBA] =	sst s0  }
0x18: {  	s0 =	sld [smem:$0x3F9D];
	_ =	swait.ge [sflag:s4], $0x0  }
0x19: {  	s7 =	sld [smem:$0x3F9E]  }
0x1a: {  	s8 =	sadd.s32 $0xFFFFE003, lr  }
0x1b: {  	s9 =	sadd.s32 $0xFFFFFEF7, lr;
	s5 =	simm.s32 $0xFFFFFFFF;
	p2 =	slt.u32 s8, $0xFFFFF086  }
0x1c: {  	p1 =	slt.u32 s9, $0xF7A;
	s5 =	simm.s32 @!p2 $0x0  }
0x1d: {  	s5 =	simm.s32 @p1 $0x1;
	p0 =	seq.s32 s7, s2  }
0x1e: {  	s7 =	smul.u32 @!p0 $0xF7A, s2;
	p2 =	seq.s32 @!p0 s5, $0x0  }
0x1f: {  	s9 =	smul.u32 $0xF7A, s1;
	s8 =	simm.s32 @!p0 $0x1BF5;
	p2 =	por !p2, p0  }
0x20: {  	[sflag:s8] =	ssyncset.s32 @!p0 $0xFFFFF086;
	s6 =	sadd.s32 @!p0 s3, s7;
	s7 =	simm.s32 @!p0 $0x108  }
0x21: {  	s3 =	sadd.s32 s3, s9;
	s6 =	sadd.s32 @!p0 $0x88, s6;
	s7 =	simm.s32 @p2 $0x1082  }
0x22: {  	[simem:s7], [sflag:s8] =	dma.local @!p0 [hbm:s6], $0xF7A  }
0x23: {  	s9 =	sor.u32 $0xD0000000, s2;
	s6 =	simm.s32 $0x108;
	_ =	swait.ge @!p0 [sflag:s8], $0x0  }
0x24: {  	s3 =	sadd.s32 $0x88, s3;
	s6 =	simm.s32 @!p1 $0x1082;
	[sflag:s4] =	ssyncset.s32 $0xFFFFF086  }
0x25: {  	[simem:s6], [sflag:s4] =	dma.local [hbm:s3], $0xF7A  }
0x26: {  	[smem:$0x3F9E] =	sst s1;
	(tag) =	ssettag s2;
	_ =	strace s9  }
0x27: {  	s1 =	sld [smem:$0x3FAE]  }
0x28: {  	s2 =	sld [smem:$0x3FAF]  }
0x29: {  	s4 =	sld [smem:$0x3FB1]  }
0x2a: {  	p0 =	seq.s32 s5, $0x0;
	s5 =	sld [smem:$0x3FB2]  }
0x2b: {  	s6 =	sld [smem:$0x3FB3]  }
0x2c: {  	s7 =	sld [smem:$0x3FB4]  }
0x2d: {  	s3 =	simm.s32 $0x108;
	s8 =	sld [smem:$0x3FB5]  }
0x2e: {  	s3 =	simm.s32 @!p0 $0x1082;
	s9 =	sld [smem:$0x3FB6]  }
0x2f: {  	lr =	sadd.s32 s0, s3;
	s0 =	sld [smem:$0x3FAD]  }
0x30: {  	s3 =	sld [smem:$0x3FB0]  }
0x31: {  	[smem:$0x3FB9] =	sst s10  }
0x32: {  	s10 =	sld [smem:$0x3FB7];
	_ =	sdelay $0x3  }
0x33: {  	p0 =	seq.s32 s10, $0x1;
	s10 =	sld [smem:$0x3FB9];
	_ =	sdelay $0x3  }
0x34: {  	[smem:$0x3FB9] =	sst s10  }
0x35: {  	s10 =	sld [smem:$0x3FB8];
	_ =	sdelay $0x3  }
0x36: {  	p1 =	seq.s32 s10, $0x1;
	s10 =	sld [smem:$0x3FB9];
	_ =	sdelay $0x3  }
0x37: {  	[smem:$0x3FB9] =	sst s10  }
0x38: {  	s10 =	sld [smem:$0x3FBA]  }
0x39: {  	_ = 	snop;
	(pc) =	sbr.ind lr, $3  }
0x3a: {  	_ = 	snop  }
0x3b: {  	_ = 	snop  }
0x3c: {  	p2 =	seq.s32 s10, $0x1;
	s10 =	sld [smem:$0x3FB9]  }
0x3d: {  	_ =	shalt  }
0x3e: {  	_ =	shalt  }
0x3f: {  	_ =	shalt  }
0x40: {  	_ =	shalt  }
0x41: {  	_ =	shalt  }
0x42: {  	_ =	shalt  }
0x43: {  	_ =	shalt  }
0x44: {  	_ =	shalt  }
0x45: {  	_ =	shalt  }
0x46: {  	_ =	shalt  }
0x47: {  	_ =	shalt  }
0x48: {  	_ =	shalt  }
0x49: {  	_ =	shalt  }
0x4a: {  	_ =	shalt  }
0x4b: {  	_ =	shalt  }
0x4c: {  	_ =	shalt  }
0x4d: {  	_ =	shalt  }
0x4e: {  	_ =	shalt  }
0x4f: {  	_ =	shalt  }
0x50: {  	_ =	shalt  }
0x51: {  	_ =	shalt  }
0x52: {  	_ =	shalt  }
0x53: {  	_ =	shalt  }
0x54: {  	_ =	shalt  }
0x55: {  	_ =	shalt  }
0x56: {  	_ =	shalt  }
0x57: {  	_ =	shalt  }
0x58: {  	_ =	shalt  }
0x59: {  	_ =	shalt  }
0x5a: {  	_ =	shalt  }
0x5b: {  	_ =	shalt  }
0x5c: {  	_ =	shalt  }
0x5d: {  	_ =	shalt  }
0x5e: {  	_ =	shalt  }
0x5f: {  	_ =	shalt  }
0x60: {  	_ =	shalt  }
0x61: {  	_ =	shalt  }
0x62: {  	_ =	shalt  }
0x63: {  	_ =	shalt  }
0x64: {  	_ =	shalt  }
0x65: {  	_ =	shalt  }
0x66: {  	_ =	shalt  }
0x67: {  	_ =	shalt  }
0x68: {  	_ =	shalt  }
0x69: {  	_ =	shalt  }
0x6a: {  	_ =	shalt  }
0x6b: {  	_ =	shalt  }
0x6c: {  	_ =	shalt  }
0x6d: {  	_ =	shalt  }
0x6e: {  	_ =	shalt  }
0x6f: {  	_ =	shalt  }
0x70: {  	_ =	shalt  }
0x71: {  	_ =	shalt  }
0x72: {  	_ =	shalt  }
0x73: {  	_ =	shalt  }
0x74: {  	_ =	shalt  }
0x75: {  	_ =	shalt  }
0x76: {  	_ =	shalt  }
0x77: {  	_ =	shalt  }
0x78: {  	_ =	shalt  }
0x79: {  	_ =	shalt  }
0x7a: {  	_ =	shalt  }
0x7b: {  	_ =	shalt  }
0x7c: {  	_ =	shalt  }
0x7d: {  	_ =	shalt  }
0x7e: {  	_ =	shalt  }
0x7f: {  	_ =	shalt  }
0x80: {  	_ =	shalt  }
0x81: {  	_ =	shalt  }
0x82: {  	_ =	shalt  }
0x83: {  	_ =	shalt  }
0x84: {  	_ =	shalt  }
0x85: {  	_ =	shalt  }
0x86: {  	_ =	shalt  }
0x87: {  	_ =	shalt  }
.Lfunc_end0:
.L_simem_size_0:
called_computation_lowered:
.L_overlay_start_0:
0x88: {  	s2 =	sld [smem:$0x3FD9]  }
0x89: {  	s3 =	sld [smem:$0x3FFE];
	_ =	sdelay $0x1  }
0x8a: {  	s1 =	srdreg.scid  }
0x8b: {  	s0 =	sand.u32 $0x1, s1  }
0x8c: {  	s14 =	sshll.u32 s0, $0xA;
	s2 =	sadd.s32 s3, s2  }
0x8d: {  	s2 =	sadd.s32 s2, s14  }
0x8e: {  	[smem:$0x3FC5] =	sst s2  }
0x8f: {  	_ = 	snop  }
0x90: {  	s2 =	sld [smem:$0x3FD0];
	_ =	sdelay $0x2  }
0x91: {  	s4 =	simm.s32 $0xA;
	s5 =	simm.s32 $0x10;
	s15 =	sld [smem:$0x3FC9]  }
0x92: {  	[smem:s5], [sflag:s4] =	dma.local [hbm:s2], $0x1  }
0x93: {  	_ =	swait.eq [sflag:s4], $0x1  }
0x94: {  	[sflag:s4] =	ssyncset.done $0x0  }
0x95: {  	[sflag:s4] =	ssyncadd.s32 $0xFFFFFFFF  }
0x96: {  	s16 =	sld [smem:$0x11];
	(tm) =	ssettm $0x1  }
0x97: {  	s17 =	sld [smem:$0x3FFB];
	_ =	sdelay $0x3  }
0x98: {  	_ =	strace s17  }
0x99: {  	s4 =	sld [smem:$0x3FFC];
	_ =	sdelay $0x3  }
0x9a: {  	_ =	strace s4  }
0x9b: {  	s4 =	sld [smem:$0x3FFD];
	_ =	sdelay $0x3  }
0x9c: {  	_ =	strace s4  }
0x9d: {  	_ =	strace $0x8FFFFFFF  }
0x9e: {  	s18 =	sld [smem:$0x3FDB];
	_ =	sdelay $0x1  }
0x9f: {  	s19 =	simm.s32 $_scs_section_size  }
0xa0: {  	s6 =	simm.s32 $_size__tile_overlayer_lowered;
	s7 =	simm.s32 $_tile_overlayer_lowered  }
0xa1: {  	s22 =	simm.s32 $0x1BFF;
	s21 =	sshll.u32 s7, $0x1;
	s4 =	sadd.s32 s19, s18  }
0xa2: {  	s8 =	simm.s32 $0x0;
	s20 =	sshll.u32 s6, $0x1;
	s6 =	sadd.s32 s21, s4  }
0xa3: {  	[timem:s8], [sflag:s22] =	dma.local [hbm:s6], s20  }
0xa4: {  	_ =	swait.ge [sflag:s22], s20  }
0xa5: {  	s5 =	ssub.s32 $0x0, s20;
	[sflag:s22] =	ssyncset.done $0x0  }
0xa6: {  	[sflag:s22] =	ssyncadd.s32 s5;
	_ =	sdelay $0x1  }
0xa7: {  	s23 =	simm.s32 $0x1B8B  }
0xa8: {  	_ =	swait.ge [sflag:s23], $0x1  }
0xa9: {  	[sflag:s23] =	ssyncset.done $0x0  }
0xaa: {  	s25 =	simm.s32 $0x1B8E;
	s24 =	sld [smem:$0x3FFE];
	[sflag:s23] =	ssyncadd.s32 $0xFFFFFFFF  }
0xab: {  	s26 =	simm.s32 $execute0_lowered;
	[smem:$0x3FD2] =	sst s25  }
0xac: {  	s6 =	sshll.u32 s26, $0x1;
	_ =	strace $0x80000046;
	[dreg:$0x1] =	wrdreg $0xFFFFFFFF  }
0xad: {  	s28 =	simm.s32 $_size_execute0_lowered;
	s4 =	sadd.s32 s4, s6;
	[dreg:$0x0] =	wrdreg $0x0  }
0xae: {  	s6 =	sshll.u32 s28, $0x1;
	[dreg:$0x2] =	wrdreg s4  }
0xaf: {  	[dreg:$0x3] =	wrdreg s6  }
0xb0: {  	[dreg:$0x4] =	wrdreg $0xC0  }
0xb1: {  	_ =	task [dreg:s8], $0x5FFFF  }
0xb2: {  	[dreg:$0x1] =	wrdreg $0xFFFFFFFF  }
0xb3: {  	[dreg:$0x0] =	wrdreg $0x60  }
0xb4: {  	[dreg:$0x2] =	wrdreg s15  }
0xb5: {  	[dreg:$0x3] =	wrdreg s24  }
0xb6: {  	[dreg:$0x4] =	wrdreg s16  }
0xb7: {  	[dreg:$0x5] =	wrdreg $0x9  }
0xb8: {  	_ =	task.clear_ibuf [dreg:s8], $0x6FFFF;
	_ =	strace $0x90000046  }
0xb9: {  	s29 =	simm.s32 $0x9;
	_ =	strace $0x80000048  }
0xba: {  	_ =	swait.ge [sflag:s29], $0x1  }
0xbb: {  	[sflag:s29] =	ssyncadd.s32 $0xFFFFFFFF  }
0xbc: {  	_ =	strace $0x90000048  }
0xbd: {  	_ =	sfence  }
0xbe: {  	s30 =	sld [smem:$0x0];
	_ =	sdelay $0x2  }
0xbf: {  	s31 =	sshll.u32 s1, $0xD;
	s1 =	sshrl.u32 s1, $0x2  }
0xc0: {  	s3 =	sand.u32 $0x4000, s31;
	s1 =	sadd.s32 s1, s30  }
0xc1: {  	s0 =	sor.u32 s3, s0;
	s1 =	sshll.u32 s1, $0x11  }
0xc2: {  	s0 =	sor.u32 s1, s0  }
0xc3: {  	s0 =	sadd.s32 $0x8F2B, s0  }
0xc4: {  	[sflag:s0] =	ssyncadd.remote.s32 $0x1  }
0xc5: {  	_ =	sfence.sel $0xFFFF  }
0xc6: {  	[dreg:$0x0] =	wrdreg $0xFFFFFFFF;
	(pc) =	sbr.abs _section_cstart, $3  }
0xc7: {  	[dreg:$0x1] =	wrdreg $0xFFFFFFFF  }
0xc8: {  	_ =	task.clear_ibuf [dreg:s8], $0x2FFFF;
	_ =	strace $0x9FFFFFFF  }
0xc9: {  	(tm) =	ssettm $0x7FFFFFFF  }
tec
execute0_lowered:
.L_overlay_start_1:
0x0: {  	(tag) =	ssettag $0x1  }
0x1: {  	s0 =	rddreg [dreg:$0x0]  }
0x2: {  	s1 =	rddreg [dreg:$0x1];
	s3 =	srdreg.scid  }
0x3: {  	s5 =	stileid.u32;
	s2 =	rddreg [dreg:$0x2]  }
0x4: {  	s8 =	simm.s32 $0x4000;
	s9 =	simm.s32 $0x4;
	s10 =	simm.s32 $0x80  }
0x5: {  	s11 =	simm.s32 $0x4100;
	s12 =	simm.s32 $0x4180;
	s17 =	simm.s32 $0x1  }
0x6: {  	v0 =	vlaneseq.u32;
	s22 =	simm.s32 $0xE400;
	s23 =	simm.s32 $0xF400;
	s24 =	simm.s32 $0x10400  }
0x7: {  	v2 =	vimm.s32 $0x0;
	vm0 =	vmmov $0x1;
	v3 =	vimm.s32 $0x0;
	s25 =	simm.s32 $0x11400;
	s26 =	simm.s32 $0x2;
	s28 =	simm.s32 $0x3  }
0x8: {  	vm1 =	vmmov $0x3;
	vm2 =	vmmov $0x7;
	vm3 =	vmmov $0xf;
	s30 =	simm.s32 $0x0;
	s4 =	sand.u32 $0x1, s3;
	s5 =	sshll.u32 s5, $0x1  }
0x9: {  	vm4 =	vmmov $0x1f;
	vm5 =	vmmov $0x3f;
	vm6 =	vmmov $0x7f;
	s3 =	simm.s32 $0x0;
	s5 =	sor.u32 s4, s5;
	s4 =	ssub.s32 $0x2, s4  }
0xa: {  	vm7 =	vmmov $0xff;
	vm8 =	vmmov $0x1ff;
	v3 =	vsel vm0, $0xFFFFFFFF, v3;
	[smem:$0x7FF] =	sst s3;
	s6 =	smul.u32 $0xC80, s5;
	s31 =	sshrl.u32 s4, $0x1  }
0xb: {  	vm9 =	vmmov $0x3ff;
	vm14 =	vmmov $0x7fff;
	_ =	strace $0x80000047;
	s5 =	sshll.u32 s5, $0x6;
	[tilespmem:$0x1FFE0] =	vst v3;
	v3 =	vimm.s32 $0x0;
	s7 =	ssub.s32 s4, s31  }
0xc: {  	vm10 =	vmmov $0x7ff;
	vm11 =	vmmov $0xfff;
	s5 =	sadd.s32 s0, s5;
	v3 =	vsel vm14, $0xFFFFFFFF, v3;
	s1 =	sadd.s32 s6, s1;
	s7 =	smax.u32 s7, $0x1  }
0xd: {  	vm12 =	vmmov $0x1fff;
	vm13 =	vmmov $0x3fff;
	v1 =	vmul.u32 $0x20, v0;
	[tilespmem:$0x1FFF0] =	vst v3;
	s4 =	sadd.s32 $0x600, s1;
	s6 =	sadd.s32 $0x19600, s1;
	s1 =	simm.s32 $0x4080  }
.LBB2_1:
0xe: {  	[tilespmem:s8], [sflag:$0x4] =	stream.linear.gather [hbm4b:s4+s3], $0x6400, $0x38;
	[tilespmem:$0x18800] =	vst v63  }
0xf: {  	_ =	swait.ge [sflag:s9], $0x6400  }
0x10: {  	[sflag:s9] =	ssyncset.done $0x0  }
0x11: {  	[sflag:s9] =	ssyncadd.s32 $0xFFFF9C00  }
0x12: {  	[tilespmem:s8], [sflag:$0x4] =	stream.linear.gather [hbm4b:s5+s3], $0x200, $0x38;
	[tilespmem:$0x18800] =	vst v63  }
0x13: {  	_ =	swait.ge [sflag:s9], $0x200  }
0x14: {  	[sflag:s9] =	ssyncset.done $0x0  }
0x15: {  	[sflag:s9] =	ssyncadd.s32 $0xFFFFFE00  }
0x16: {  	[tilespmem:s3], [sflag:$0x1] =	stream.indirect.gather [hbm4b:s2+s10], $0x20, s8, s10, $0xb8;
	[tilespmem:$0x18800] =	vst v63  }
0x17: {  	s0 =	simm.s32 $0x1000  }
0x18: {  	[tilespmem:s0], [sflag:$0x1] =	stream.indirect.gather [hbm4b:s2+s10], $0x20, s1, s10, $0xb8;
	[tilespmem:$0x18800] =	vst v63  }
0x19: {  	s21 =	simm.s32 $0x2000  }
0x1a: {  	[tilespmem:s21], [sflag:$0x1] =	stream.indirect.gather [hbm4b:s2+s10], $0x20, s11, s10, $0xb8;
	[tilespmem:$0x18800] =	vst v63  }
0x1b: {  	s29 =	simm.s32 $0x3000  }
0x1c: {  	[tilespmem:s29], [sflag:$0x1] =	stream.indirect.gather [hbm4b:s2+s10], $0x20, s12, s10, $0xb8;
	[tilespmem:$0x18800] =	vst v63  }
0x1d: {  	_ =	swait.ge [sflag:s17], $0x1000  }
0x1e: {  	[sflag:s17] =	ssyncset.done $0x0  }
0x1f: {  	[sflag:s17] =	ssyncadd.s32 $0xFFFFF000  }
0x20: {  	_ =	swait.ge [sflag:s17], $0x1000  }
0x21: {  	[sflag:s17] =	ssyncset.done $0x0  }
0x22: {  	[sflag:s17] =	ssyncadd.s32 $0xFFFFF000  }
0x23: {  	_ =	swait.ge [sflag:s17], $0x1000  }
0x24: {  	[sflag:s17] =	ssyncset.done $0x0  }
0x25: {  	[sflag:s17] =	ssyncadd.s32 $0xFFFFF000  }
0x26: {  	v3 =	vmov s3;
	_ =	swait.ge [sflag:s17], $0x1000  }
0x27: {  	v3 =	vshll.u32 v3, $0x5;
	[sflag:s17] =	ssyncset.done $0x0  }
0x28: {  	v3 =	vor.u32 v1, v3;
	[sflag:s17] =	ssyncadd.s32 $0xFFFFF000  }
0x29: {  	[tilespmem:s8], [sflag:$0x4] =	stream.linear.gather [hbm4b:s4+s3], $0x200, $0x38;
	[tilespmem:$0x18800] =	vst v63  }
0x2a: {  	_ =	swait.ge [sflag:s9], $0x200  }
0x2b: {  	[sflag:s9] =	ssyncset.done $0x0  }
0x2c: {  	[sflag:s9] =	ssyncadd.s32 $0xFFFFFE00  }
0x2d: {  	s31 =	simm.s32 $0x10;
	v4 =	vld.idx.msk [tilespmem:v3+s3+$0x0], $0xffff  }
0x2e: {  	v5 =	vmov s31;
	s0 =	simm.s32 $0x20  }
.LBB2_2:
0x2f: {  	p0 =	sne.s32 s0, $0x1F0;
	v5 =	vshll.u32 v5, $0x5  }
0x30: {  	v5 =	vor.u32 v1, v5;
	_ =	sdelay $0x1  }
0x31: {  	v4 =	vsub.f32 $0.0e+00, v4  }
.Ltmp0:
0x32: {  	(pc) =	sbr.rel @p0 .LBB2_2-.Ltmp0, $3  }
0x33: {  	[tilespmem:v3+s3+$0x0] =	vst.idx.msk $0xffff, v4;
	v3 =	vmov v5  }
0x34: {  	v4 =	vld.idx.msk [tilespmem:v5+s3+$0x0], $0xffff;
	_ =	sdelay $0x1  }
0x35: {  	v5 =	vmov s0;
	s0 =	sadd.s32 $0x10, s0  }
0x36: {  	v5 =	vshll.u32 v5, $0x5  }
0x37: {  	v5 =	vor.u32 v1, v5;
	_ =	sdelay $0x1  }
0x38: {  	v4 =	vsub.f32 $0.0e+00, v4;
	_ =	sdelay $0x1  }
0x39: {  	[tilespmem:v3+s3+$0x0] =	vst.idx.msk $0xffff, v4  }
0x3a: {  	v3 =	vld.idx.msk [tilespmem:v5+s3+$0x0], $0xffff;
	_ =	sdelay $0x4  }
0x3b: {  	v3 =	vsub.f32 $0.0e+00, v3;
	_ =	sdelay $0x1  }
0x3c: {  	s0 =	simm.s32 $0xA400;
	[tilespmem:v5+s3+$0x0] =	vst.idx.msk $0xffff, v3  }
0x3d: {  	[tilespmem:s0], [sflag:$0x2] =	stream.indirect.gather [hbm4b:s2+s10], $0x20, s8, s10, $0xb8;
	[tilespmem:$0x18800] =	vst v63  }
0x3e: {  	s20 =	simm.s32 $0xB400  }
0x3f: {  	[tilespmem:s20], [sflag:$0x2] =	stream.indirect.gather [hbm4b:s2+s10], $0x20, s1, s10, $0xb8;
	[tilespmem:$0x18800] =	vst v63  }
0x40: {  	s21 =	simm.s32 $0xC400  }
0x41: {  	[tilespmem:s21], [sflag:$0x2] =	stream.indirect.gather [hbm4b:s2+s10], $0x20, s11, s10, $0xb8;
	[tilespmem:$0x18800] =	vst v63  }
0x42: {  	s29 =	simm.s32 $0xD400;
	s31 =	simm.s32 $0x12400;
	s14 =	simm.s32 $0x0  }
0x43: {  	[tilespmem:s29], [sflag:$0x2] =	stream.indirect.gather [hbm4b:s2+s10], $0x20, s12, s10, $0xb8;
	[tilespmem:$0x18800] =	vst v63  }
0x44: {  	s0 =	simm.s32 $0x12600;
	s21 =	simm.s32 $0x0;
	s12 =	simm.s32 $0x200  }
.LBB2_4:
0x45: {  	v3 =	vor.u32 s21, v0  }
0x46: {  	v4 =	vmulhi.u32 $0x51EB851F, v3;
	_ =	sdelay $0x1  }
0x47: {  	v4 =	vshrl.u32 v4, $0x4  }
0x48: {  	v6 =	vmov s21;
	v5 =	vmul.u32 $0xFFFFFFCE, v4  }
0x49: {  	v3 =	vsub.s32 $0x0, v3;
	vm15 =	veq.s32 v6, v0;
	v6 =	vimm.s32 $0x0  }
0x4a: {  	v6 =	vsel vm15, $0xFFFFFFFF, v6;
	vm15 =	vne.s32 v5, v3;
	v3 =	vimm.s32 $0x0  }
0x4b: {  	[tilespmem:$0x1FFC0] =	vst v6;
	v3 =	vsel vm15, $0xFFFFFFFF, v3  }
0x4c: {  	[tilespmem:$0x1FFD0] =	vst v3;
	v3 =	vld [tilespmem:$0x1FFC0];
	_ =	sdelay $0x3  }
0x4d: {  	s1 =	sshll.u32 s14, $0xA  }
0x4e: {  	s1 =	sor.u32 $0x200, s1;
	vm15 =	vnez.u8 v3;
	v3 =	vld [tilespmem:$0x1FFD0]  }
0x4f: {  	s1 =	sand.u32 $0x3FFFFE00, s1  }
0x50: {  	s11 =	sadd.s32 $0x4000, s1  }
0x51: {  	[tilespmem:s22], [sflag:$0x3] =	stream.indirect.gather [hbm4b:s2+s10], $0x20, s11, s10, $0xb8;
	[tilespmem:$0x18800] =	vst v63  }
0x52: {  	s19 =	sadd.s32 $0x4080, s1  }
0x53: {  	[tilespmem:s23], [sflag:$0x3] =	stream.indirect.gather [hbm4b:s2+s10], $0x20, s19, s10, $0xb8;
	vm0 =	vnez.u8 v3;
	[tilespmem:$0x18800] =	vst v63  }
0x54: {  	s20 =	sadd.s32 $0x4100, s1;
	vm15 =	vmand vm15, vm0  }
0x55: {  	[tilespmem:s24], [sflag:$0x3] =	stream.indirect.gather [hbm4b:s2+s10], $0x20, s20, s10, $0xb8;
	v3 =	vsel vm15, $0xFFFFFFFF, v2;
	[tilespmem:$0x18800] =	vst v63  }
0x56: {  	s1 =	sadd.s32 $0x4180, s1;
	v3 =	vadd.s32 v3, v4  }
0x57: {  	[tilespmem:s25], [sflag:$0x3] =	stream.indirect.gather [hbm4b:s2+s10], $0x20, s1, s10, $0xb8;
	v3 =	vshll.u32 v3, $0x7;
	[tilespmem:$0x18800] =	vst v63  }
0x58: {  	_ =	swait.ge [sflag:s26], $0x4000;
	v6 =	vshra.s32 v3, $0x2  }
0x59: {  	(v2sf) =	vpush v6, $0xE;
	_ =	sdelay $0x6  }
0x5a: {  	(v2sf) =	vpush v6, $0xD  }
0x5b: {  	(v2sf) =	vpush v6, $0xC;
	_ =	sdelay $0x1  }
0x5c: {  	[sflag:s26] =	ssyncset.done $0x0;
	(v2sf) =	vpush v6, $0xB  }
0x5d: {  	s18 =	simm.s32 $0xA500;
	[sflag:s26] =	ssyncadd.s32 $0xFFFFC000  }
0x5e: {  	v8 =	vld [tilespmem:s18+$0xC0];
	(v2sf) =	vpush v6, $0xA  }
0x5f: {  	v13 =	vld [tilespmem:s18+$0xD0];
	(v2sf) =	vpush v6, $0x9  }
0x60: {  	v14 =	vld [tilespmem:s18+$0x80]  }
0x61: {  	v22 =	vld [tilespmem:s18+$0x90];
	s13 =	spop (v2sf);
	(v2sf) =	vpush v6, $0x8  }
0x62: {  	v15 =	vld [tilespmem:s18+$0x60]  }
0x63: {  	v21 =	vld [tilespmem:s18+$0x70]  }
0x64: {  	v19 =	vld [tilespmem:s18+$0x20]  }
0x65: {  	v25 =	vld [tilespmem:s18+$0x30]  }
0x66: {  	v24 =	vld [tilespmem:s18+$0x0]  }
0x67: {  	v7 =	vld [tilespmem:s13+$0x0]  }
0x68: {  	v9 =	vld [tilespmem:s13+$0x10];
	s19 =	spop (v2sf)  }
0x69: {  	v4 =	vld [tilespmem:s19+$0x0];
	s15 =	spop (v2sf)  }
0x6a: {  	v11 =	vld [tilespmem:s15+$0x0]  }
0x6b: {  	v18 =	vld [tilespmem:s15+$0x10];
	s16 =	spop (v2sf)  }
0x6c: {  	v12 =	vld [tilespmem:s16+$0x0]  }
0x6d: {  	v17 =	vld [tilespmem:s16+$0x10];
	s29 =	spop (v2sf);
	(v2sf) =	vpush v6, $0x7  }
0x6e: {  	v5 =	vld [tilespmem:s29+$0x0];
	s20 =	spop (v2sf);
	(v2sf) =	vpush v6, $0x6  }
0x6f: {  	v16 =	vld [tilespmem:s20+$0x0];
	(v2sf) =	vpush v6, $0x5  }
0x70: {  	v23 =	vld [tilespmem:s20+$0x10];
	(v2sf) =	vpush v6, $0x4;
	s11 =	spop (v2sf)  }
0x71: {  	s1 =	smov.u32 s21;
	v3 =	vmov s31;
	s16 =	simm.s32 $0x0;
	s20 =	simm.s32 $0x40;
	(v2sf) =	vpush v6, $0x3;
	v20 =	vld [tilespmem:s11+$0x0]  }
.LBB2_5:
0x72: {  	_ =	sdelay $0x2  }
0x73: {  	(v2sf) =	vpush v6, $0x2  }
0x74: {  	v26 =	vld [tilespmem:s11+$0x10];
	v7 =	vmul.f32 v8, v7;
	v8 =	vmul.f32 v13, v9  }
0x75: {  	v27 =	vld [tilespmem:s18+$0x10]  }
0x76: {  	v13 =	vld [tilespmem:s18+$0xFFFFFFC0];
	v11 =	vmul.f32 v14, v11;
	v14 =	vmul.f32 v22, v18;
	v7 =	vadd.f32 v8, v7  }
0x77: {  	v18 =	vld [tilespmem:s18+$0xFFFFFFD0]  }
0x78: {  	(xrf2) =	vadd.scan.msk.f32 $0xffff, v7;
	v7 =	vadd.f32 v14, v11;
	v11 =	vld [tilespmem:s18+$0xFFFFFFA0]  }
0x79: {  	v12 =	vmul.f32 v15, v12;
	v14 =	vmul.f32 v21, v17;
	v17 =	vld [tilespmem:s18+$0xFFFFFFB0]  }
0x7a: {  	v21 =	vld [tilespmem:s18+$0xFFFFFF60];
	s11 =	spop (v2sf)  }
0x7b: {  	(xrf2) =	vadd.scan.msk.f32 $0xffff, v7;
	v7 =	vadd.f32 v14, v12;
	v14 =	vmul.f32 v19, v16;
	v16 =	vmul.f32 v25, v23;
	v23 =	vld [tilespmem:s18+$0xFFFFFF70];
	s13 =	spop (v2sf)  }
0x7c: {  	v9 =	vld [tilespmem:s13+$0x0]  }
0x7d: {  	(v2sf) =	vpush v6, $0x0;
	v8 =	vld [tilespmem:s13+$0x10];
	s15 =	spop (v2sf)  }
0x7e: {  	v25 =	vadd.f32 v16, v14;
	v16 =	vmul.f32 v24, v20;
	v20 =	vmul.f32 v27, v26;
	v22 =	vld [tilespmem:s15+$0x0]  }
0x7f: {  	v15 =	vld [tilespmem:s15+$0x10];
	s13 =	spop (v2sf)  }
0x80: {  	(v2sf) =	vpush v6, $0x1;
	(xrf2) =	vadd.scan.msk.f32 $0xffff, v7;
	s15 =	spop (v2sf);
	v16 =	vadd.f32 v20, v16;
	v20 =	vld [tilespmem:s18+$0xFFFFFF40]  }
0x81: {  	v19 =	vld [tilespmem:s15+$0x0]  }
0x82: {  	(xrf2) =	vadd.scan.msk.f32 $0xffff, v25;
	v14 =	vld [tilespmem:s15+$0x10];
	s15 =	spop (v2sf)  }
0x83: {  	v24 =	vld [tilespmem:s15+$0x0]  }
0x84: {  	v9 =	vmul.f32 v13, v9;
	v13 =	vld [tilespmem:s15+$0x10]  }
0x85: {  	v18 =	vmul.f32 v18, v8;
	v7, _, _ =	vpop (xrf2);
	(xrf2) =	vadd.scan.msk.f32 $0xffff, v16;
	v16 =	vld [tilespmem:s18+$0xFFFFFF50]  }
0x86: {  	v11 =	vmul.f32 v11, v22;
	v15 =	vmul.f32 v17, v15  }
0x87: {  	v25 =	vadd.f32 v18, v9  }
0x88: {  	v12 =	vld [tilespmem:s13+$0x0];
	v11 =	vadd.f32 v15, v11;
	v19 =	vmul.f32 v21, v19;
	v23 =	vmul.f32 v23, v14  }
0x89: {  	v18 =	vld [tilespmem:s18+$0xFFFFFF00];
	v8, _, _ =	vpop (xrf2);
	(xrf2) =	vadd.scan.msk.f32 $0xffff, v25  }
0x8a: {  	v15 =	vld [tilespmem:s18+$0xFFFFFF10];
	v9, _, _ =	vpop (xrf2);
	(xrf2) =	vadd.scan.msk.f32 $0xffff, v11;
	v11 =	vadd.f32 v23, v19;
	v23 =	vmul.f32 v20, v24;
	v13 =	vmul.f32 v16, v13  }
0x8b: {  	v16 =	vld [tilespmem:s18+$0xFFFFFF30]  }
0x8c: {  	v14, _, _ =	vpop (xrf2);
	(xrf2) =	vadd.scan.msk.f32 $0xffff, v11;
	v11 =	vadd.f32 v13, v23;
	v13 =	vld [tilespmem:s18+$0xFFFFFF80];
	s15 =	spop (v2sf)  }
0x8d: {  	v17 =	vld [tilespmem:s15+$0x0]  }
0x8e: {  	v22 =	vld [tilespmem:s15+$0x10]  }
0x8f: {  	s15 =	spop (v2sf);
	(v2sf) =	vpush v6, $0xF;
	v6 =	vld [tilespmem:s18+$0xFFFFFF20]  }
0x90: {  	v21 =	vld [tilespmem:s15+$0x0]  }
0x91: {  	v19 =	vld [tilespmem:s15+$0x10]  }
0x92: {  	v23 =	vmul.f32 v18, v17;
	v18 =	vld [tilespmem:s13+$0x10]  }
0x93: {  	v15 =	vmul.f32 v15, v22;
	v22 =	vld [tilespmem:s18+$0xFFFFFF90]  }
0x94: {  	v10 =	vld [tilespmem:s11+$0x0]  }
0x95: {  	v6 =	vmul.f32 v6, v21;
	v21 =	vld [tilespmem:s18+$0xFFFFFFF0]  }
0x96: {  	v20, _, _ =	vpop (xrf2);
	(xrf2) =	vadd.scan.msk.f32 $0xffff, v11;
	v11 =	vadd.f32 v15, v23;
	v15 =	vld [tilespmem:s18+$0xFFFFFFE0];
	v23 =	vmul.f32 v16, v19  }
0x97: {  	vm14 =	vmmov vm13;
	vm13 =	vmmov vm12;
	vm12 =	vmmov vm11;
	v19 =	vld [tilespmem:s11+$0x10]  }
0x98: {  	v12 =	vmul.f32 v13, v12;
	v17, _, _ =	vpop (xrf2);
	(xrf2) =	vadd.scan.msk.f32 $0xffff, v11;
	v6 =	vadd.f32 v23, v6;
	v11 =	vld [tilespmem:s18+$0x40];
	v23 =	vmul.f32 v22, v18  }
0x99: {  	vm11 =	vmmov vm10;
	vm10 =	vmmov vm9;
	vm9 =	vmmov vm8;
	v18 =	vld [tilespmem:s29+$0x10]  }
0x9a: {  	vm8 =	vmmov vm7;
	vm7 =	vmmov vm6;
	v16, _, _ =	vpop (xrf2);
	(xrf2) =	vadd.scan.msk.f32 $0xffff, v6;
	v6 =	vadd.f32 v23, v12;
	v12 =	vld [tilespmem:s18+$0xA0]  }
0x9b: {  	s1 =	sadd.s32 $0x10, s1;
	vm6 =	vmmov vm5;
	vm5 =	vmmov vm4;
	vm4 =	vmmov vm3;
	v22 =	vld [tilespmem:s18+$0x50]  }
0x9c: {  	vm3 =	vmmov vm4;
	v23 =	vor.u32 s1, v0;
	v10 =	vmul.f32 v15, v10  }
0x9d: {  	vm4 =	vmmov vm5;
	v24 =	vld [tilespmem:s18+$0xB0];
	v25 =	vmul.f32 v21, v19;
	v21 =	vmulhi.u32 $0x51EB851F, v23  }
0x9e: {  	vm5 =	vmmov vm6;
	vm6 =	vmmov vm7;
	vm7 =	vmmov vm8;
	v19 =	vld [tilespmem:s19+$0x10]  }
0x9f: {  	v13, _, _ =	vpop (xrf2);
	(xrf2) =	vadd.scan.msk.f32 $0xffff, v6;
	v6 =	vadd.f32 v25, v10;
	v21 =	vshrl.u32 v21, $0x4;
	v4 =	vmul.f32 v12, v4;
	v12 =	vld [tilespmem:$0x1FFE0]  }
0xa0: {  	v5 =	vmul.f32 v11, v5;
	s13 =	spop (v2sf);
	v11 =	vmul.f32 v22, v18;
	v18 =	vld [tilespmem:s18+$0xE0];
	v25 =	vmul.u32 $0xFFFFFFCE, v21  }
0xa1: {  	vm8 =	vmmov vm9;
	v27 =	vmov s1;
	v15, _, _ =	vpop (xrf2);
	v10 =	vld [tilespmem:s13+$0x0];
	(xrf2) =	vadd.scan.msk.f32 $0xffff, v6;
	v6 =	vsub.s32 $0x0, v23  }
0xa2: {  	vm15 =	veq.s32 v27, v0;
	v26 =	vld [tilespmem:s13+$0x10];
	v5 =	vadd.f32 v11, v5;
	vm0 =	vne.s32 v25, v6  }
0xa3: {  	vm9 =	vmmov vm10;
	vm10 =	vmmov vm11;
	v11 =	vld [tilespmem:s18+$0xF0];
	vm0 =	vmand vm15, vm0  }
0xa4: {  	v19 =	vmul.f32 v24, v19;
	v22, _, _ =	vpop (xrf2);
	(xrf2) =	vadd.scan.msk.f32 $0xffff, v5;
	v5 =	vsel vm0, $0xFFFFFFFF, v2;
	vm0 =	vnez.u8 v12;
	v12 =	vld [tilespmem:$0x1FFF0]  }
0xa5: {  	vm11 =	vmmov vm12;
	vm12 =	vmmov vm13;
	vm13 =	vmmov vm14  }
0xa6: {  	v4 =	vadd.f32 v19, v4;
	v19 =	vbroadcast v22, $0xF;
	v6, _, _ =	vpop (xrf2);
	v5 =	vadd.s32 v5, v21  }
0xa7: {  	v10 =	vmul.f32 v18, v10;
	v18 =	vbroadcast v6, $0xF;
	v5 =	vshll.u32 v5, $0x7  }
0xa8: {  	v15 =	vbroadcast v15, $0xF;
	(xrf2) =	vadd.scan.msk.f32 $0xffff, v4;
	v11 =	vmul.f32 v11, v26;
	v6 =	vshra.s32 v5, $0x2  }
0xa9: {  	v5 =	vbroadcast v13, $0xF;
	v4 =	vsel vm0, v19, v18;
	vm14 =	vnez.u8 v12;
	v12, _, _ =	vpop (xrf2)  }
0xaa: {  	v10 =	vadd.f32 v11, v10;
	v4 =	vsel vm1, v4, v15;
	v13 =	vbroadcast v12, $0xF  }
0xab: {  	(v2sf) =	vpush v6, $0xE;
	v4 =	vsel vm2, v4, v5;
	v5 =	vbroadcast v16, $0xF  }
0xac: {  	v12, _, _ =	vpop (xrf2);
	(xrf2) =	vadd.scan.msk.f32 $0xffff, v10;
	v4 =	vsel vm3, v4, v13;
	v13 =	vbroadcast v17, $0xF  }
0xad: {  	v4 =	vsel vm4, v4, v5;
	v5 =	vbroadcast v12, $0xF  }
0xae: {  	v10 =	vbroadcast v20, $0xF;
	v4 =	vsel vm5, v4, v13  }
0xaf: {  	v11, _, _ =	vpop (xrf2);
	v4 =	vsel vm6, v4, v5;
	v5 =	vbroadcast v14, $0xF  }
0xb0: {  	v4 =	vsel vm7, v4, v10;
	v10 =	vbroadcast v11, $0xF  }
0xb1: {  	v4 =	vsel vm8, v4, v5;
	v5 =	vbroadcast v9, $0xF  }
0xb2: {  	v8 =	vbroadcast v8, $0xF;
	v9, _, _ =	vpop (xrf2);
	v4 =	vsel vm9, v4, v10  }
0xb3: {  	v9 =	vbroadcast v9, $0xF;
	v4 =	vsel vm10, v4, v5  }
0xb4: {  	v7 =	vbroadcast v7, $0xF;
	v4 =	vsel vm11, v4, v8  }
0xb5: {  	v4 =	vsel vm12, v4, v9  }
0xb6: {  	(v2sf) =	vpush v6, $0xD;
	v5, _, _ =	vpop (xrf2);
	v4 =	vsel vm13, v4, v7  }
0xb7: {  	(v2sf) =	vpush v6, $0xC;
	v4 =	vsel vm14, v4, v5  }
0xb8: {  	v4 =	vsub.f32 $0.0e+00, v4  }
0xb9: {  	s15 =	sshra.s32 s16, $0x2;
	(v2sf) =	vpush v6, $0xB  }
0xba: {  	s19 =	spop (v2sf);
	[tilespmem:v3+s15+$0x0 ss:$0x1] =	vst.idx.msk $0xffff, v4  }
0xbb: {  	s18 =	sadd.s32 $0x200, s18;
	(v2sf) =	vpush v6, $0xA;
	v7 =	vld [tilespmem:s19+$0x0]  }
0xbc: {  	(v2sf) =	vpush v6, $0x9;
	v8 =	vld [tilespmem:s18+$0xC0]  }
0xbd: {  	v9 =	vld [tilespmem:s19+$0x10]  }
0xbe: {  	(v2sf) =	vpush v6, $0x8;
	v13 =	vld [tilespmem:s18+$0xD0]  }
0xbf: {  	v14 =	vld [tilespmem:s18+$0x80]  }
0xc0: {  	v22 =	vld [tilespmem:s18+$0x90]  }
0xc1: {  	v15 =	vld [tilespmem:s18+$0x60]  }
0xc2: {  	v21 =	vld [tilespmem:s18+$0x70]  }
0xc3: {  	v19 =	vld [tilespmem:s18+$0x20]  }
0xc4: {  	v25 =	vld [tilespmem:s18+$0x30]  }
0xc5: {  	s19 =	spop (v2sf);
	v24 =	vld [tilespmem:s18+$0x0]  }
0xc6: {  	v4 =	vld [tilespmem:s19+$0x0];
	s15 =	spop (v2sf)  }
0xc7: {  	v11 =	vld [tilespmem:s15+$0x0]  }
0xc8: {  	v18 =	vld [tilespmem:s15+$0x10];
	s13 =	spop (v2sf)  }
0xc9: {  	p0 =	sne.s32 s20, $0x7C0;
	v12 =	vld [tilespmem:s13+$0x0]  }
.Ltmp1:
0xca: {  	(v2sf) =	vpush v6, $0x7;
	v17 =	vld [tilespmem:s13+$0x10];
	s29 =	spop (v2sf);
	(pc) =	sbr.rel @p0 .LBB2_5-.Ltmp1, $4  }
0xcb: {  	(v2sf) =	vpush v6, $0x6;
	v5 =	vld [tilespmem:s29+$0x0];
	s15 =	spop (v2sf)  }
0xcc: {  	(v2sf) =	vpush v6, $0x5;
	v16 =	vld [tilespmem:s15+$0x0]  }
0xcd: {  	(v2sf) =	vpush v6, $0x4;
	v23 =	vld [tilespmem:s15+$0x10];
	s11 =	spop (v2sf)  }
0xce: {  	s16 =	smov.u32 s20;
	s20 =	sadd.s32 $0x40, s20;
	(v2sf) =	vpush v6, $0x3;
	v20 =	vld [tilespmem:s11+$0x0]  }
0xcf: {  	v10 =	vld [tilespmem:s11+$0x10]  }
0xd0: {  	v26 =	vld [tilespmem:s18+$0x10]  }
0xd1: {  	v29 =	vld [tilespmem:s18+$0xFFFFFFC0]  }
0xd2: {  	v31 =	vld [tilespmem:s18+$0xFFFFFFD0]  }
0xd3: {  	v33 =	vld [tilespmem:s18+$0xFFFFFFA0]  }
0xd4: {  	(v2sf) =	vpush v6, $0x2;
	v35 =	vld [tilespmem:s18+$0xFFFFFFB0]  }
0xd5: {  	v38 =	vld [tilespmem:s18+$0xFFFFFF60]  }
0xd6: {  	v40 =	vld [tilespmem:s18+$0xFFFFFF70];
	(v2sf) =	vpush v6, $0x0  }
0xd7: {  	v42 =	vld [tilespmem:s18+$0xFFFFFF40]  }
0xd8: {  	v44 =	vld [tilespmem:s18+$0xFFFFFF50]  }
0xd9: {  	v45 =	vld [tilespmem:s18+$0xFFFFFF00];
	v7 =	vmul.f32 v8, v7;
	v8 =	vmul.f32 v13, v9  }
0xda: {  	v12 =	vmul.f32 v15, v12;
	v15 =	vmul.f32 v21, v17;
	v17 =	vld [tilespmem:s18+$0xFFFFFF20];
	s1 =	spop (v2sf);
	(v2sf) =	vpush v6, $0x1  }
0xdb: {  	v21 =	vld [tilespmem:s18+$0xFFFFFF90]  }
0xdc: {  	v7 =	vadd.f32 v8, v7;
	v8 =	vmul.f32 v14, v11;
	v14 =	vld [tilespmem:s18+$0xFFFFFF10]  }
0xdd: {  	v11 =	vmul.f32 v22, v18;
	v18 =	vld [tilespmem:s18+$0xFFFFFF30];
	s13 =	spop (v2sf)  }
0xde: {  	v28 =	vld [tilespmem:s13+$0x0]  }
0xdf: {  	v30 =	vld [tilespmem:s13+$0x10];
	s15 =	spop (v2sf)  }
0xe0: {  	v32 =	vld [tilespmem:s15+$0x0];
	s11 =	spop (v2sf)  }
0xe1: {  	v34 =	vld [tilespmem:s15+$0x10];
	s13 =	spop (v2sf)  }
0xe2: {  	v37 =	vld [tilespmem:s13+$0x0]  }
0xe3: {  	v39 =	vld [tilespmem:s13+$0x10];
	s20 =	spop (v2sf)  }
0xe4: {  	v41 =	vld [tilespmem:s20+$0x0]  }
0xe5: {  	v8 =	vadd.f32 v11, v8;
	v11 =	vmul.f32 v19, v16;
	v16 =	vmul.f32 v25, v23;
	v43 =	vld [tilespmem:s20+$0x10];
	s15 =	spop (v2sf)  }
0xe6: {  	(xrf2) =	vadd.scan.msk.f32 $0xffff, v7;
	v7 =	vadd.f32 v15, v12;
	v12 =	vmul.f32 v24, v20;
	v10 =	vmul.f32 v26, v10;
	v9 =	vld [tilespmem:s15+$0x0]  }
0xe7: {  	(xrf2) =	vadd.scan.msk.f32 $0xffff, v8;
	v8 =	vadd.f32 v16, v11;
	v13 =	vld [tilespmem:s15+$0x10]  }
0xe8: {  	v19 =	vld [tilespmem:s18+$0xFFFFFF80];
	(xrf2) =	vadd.scan.msk.f32 $0xffff, v7;
	v7 =	vadd.f32 v10, v12;
	v11 =	vmul.f32 v29, v28;
	v16 =	vmul.f32 v31, v30  }
0xe9: {  	v36 =	vld [tilespmem:s11+$0x0];
	(v2sf) =	vpush v6, $0xF;
	v10 =	vmul.f32 v33, v32;
	v12 =	vmul.f32 v35, v34;
	s20 =	spop (v2sf)  }
0xea: {  	(xrf2) =	vadd.scan.msk.f32 $0xffff, v8;
	v8 =	vadd.f32 v16, v11;
	v11 =	vmul.f32 v38, v37;
	v16 =	vmul.f32 v40, v39;
	v6 =	vld [tilespmem:s20+$0x0]  }
0xeb: {  	(xrf2) =	vadd.scan.msk.f32 $0xffff, v7;
	v7 =	vadd.f32 v12, v10;
	v10 =	vmul.f32 v42, v41;
	v12 =	vmul.f32 v44, v43;
	v15 =	vld [tilespmem:s20+$0x10]  }
0xec: {  	v20 =	vld [tilespmem:s11+$0x10];
	(xrf2) =	vadd.scan.msk.f32 $0xffff, v8;
	v8 =	vadd.f32 v16, v11;
	v9 =	vmul.f32 v45, v9;
	v11 =	vmul.f32 v14, v13  }
0xed: {  	(xrf2) =	vadd.scan.msk.f32 $0xffff, v7;
	v7 =	vadd.f32 v12, v10;
	v12 =	vld [tilespmem:s1+$0x10]  }
0xee: {  	(xrf2) =	vadd.scan.msk.f32 $0xffff, v8;
	v8 =	vadd.f32 v11, v9;
	v9 =	vld [tilespmem:s18+$0xFFFFFFF0]  }
0xef: {  	v27 =	vld [tilespmem:s1+$0x0]  }
0xf0: {  	v13 =	vld [tilespmem:s18+$0xFFFFFFE0];
	v6 =	vmul.f32 v17, v6;
	v10 =	vmul.f32 v18, v15  }
0xf1: {  	v11 =	vld [tilespmem:s29+$0x10];
	(xrf2) =	vadd.scan.msk.f32 $0xffff, v7  }
0xf2: {  	v7 =	vld [tilespmem:s18+$0x40];
	(xrf2) =	vadd.scan.msk.f32 $0xffff, v8;
	v8 =	vmul.f32 v19, v36;
	v6 =	vadd.f32 v10, v6  }
0xf3: {  	v9 =	vmul.f32 v9, v12;
	v12 =	vld [tilespmem:s19+$0x10];
	v10 =	vmul.f32 v21, v20  }
0xf4: {  	v15 =	vld [tilespmem:s18+$0x50]  }
0xf5: {  	v14, _, _ =	vpop (xrf2);
	v18 =	vld [tilespmem:s18+$0xB0];
	(xrf2) =	vadd.scan.msk.f32 $0xffff, v6;
	v8 =	vadd.f32 v10, v8  }
0xf6: {  	v13 =	vmul.f32 v13, v27;
	v10 =	vld [tilespmem:s18+$0xA0];
	v6, _, _ =	vpop (xrf2)  }
0xf7: {  	v16, _, _ =	vpop (xrf2)  }
0xf8: {  	v9 =	vadd.f32 v9, v13;
	v17, _, _ =	vpop (xrf2)  }
0xf9: {  	(xrf2) =	vadd.scan.msk.f32 $0xffff, v8;
	v8, _, _ =	vpop (xrf2)  }
0xfa: {  	v5 =	vmul.f32 v7, v5;
	v7 =	vmul.f32 v15, v11;
	v19, _, _ =	vpop (xrf2)  }
0xfb: {  	v4 =	vmul.f32 v10, v4;
	v10 =	vmul.f32 v18, v12;
	v15, _, _ =	vpop (xrf2)  }
0xfc: {  	s15 =	spop (v2sf);
	(xrf2) =	vadd.scan.msk.f32 $0xffff, v9;
	v5 =	vadd.f32 v7, v5;
	v9, _, _ =	vpop (xrf2)  }
0xfd: {  	v13 =	vld [tilespmem:s15+$0x0];
	v4 =	vadd.f32 v10, v4;
	v21, _, _ =	vpop (xrf2)  }
0xfe: {  	v11 =	vld [tilespmem:s18+$0xE0];
	(xrf2) =	vadd.scan.msk.f32 $0xffff, v5;
	v12, _, _ =	vpop (xrf2)  }
0xff: {  	v10, _, _ =	vpop (xrf2);
	(xrf2) =	vadd.scan.msk.f32 $0xffff, v4;
	v4 =	vld [tilespmem:$0x1FFE0];
	_ =	sdelay $0x1  }
0x100: {  	v20 =	vld [tilespmem:s15+$0x10];
	v10 =	vbroadcast v10, $0xF  }
0x101: {  	v7 =	vld [tilespmem:s18+$0xF0]  }
0x102: {  	v5 =	vmul.f32 v11, v13;
	v11 =	vbroadcast v12, $0xF  }
0x103: {  	vm0 =	vnez.u8 v4  }
0x104: {  	v4 =	vsel vm0, v11, v10;
	v10, _, _ =	vpop (xrf2)  }
0x105: {  	v12 =	vbroadcast v21, $0xF;
	v10 =	vbroadcast v10, $0xF  }
0x106: {  	v7 =	vmul.f32 v7, v20;
	v9 =	vbroadcast v9, $0xF  }
0x107: {  	v4 =	vsel vm1, v4, v12  }
0x108: {  	v5 =	vadd.f32 v7, v5;
	v7 =	vbroadcast v15, $0xF;
	v4 =	vsel vm2, v4, v9  }
0x109: {  	v9 =	vbroadcast v19, $0xF;
	v4 =	vsel vm3, v4, v10;
	v10, _, _ =	vpop (xrf2)  }
0x10a: {  	(xrf2) =	vadd.scan.msk.f32 $0xffff, v5;
	v4 =	vsel vm4, v4, v7;
	v5 =	vbroadcast v10, $0xF  }
0x10b: {  	v7 =	vbroadcast v8, $0xF;
	v4 =	vsel vm5, v4, v9  }
0x10c: {  	v8, _, _ =	vpop (xrf2);
	v4 =	vsel vm6, v4, v5  }
0x10d: {  	v4 =	vsel vm7, v4, v7;
	v7 =	vbroadcast v8, $0xF  }
0x10e: {  	v5 =	vbroadcast v17, $0xF;
	_ =	sdelay $0x1  }
0x10f: {  	v4 =	vsel vm8, v4, v5;
	v5 =	vbroadcast v16, $0xF  }
0x110: {  	v4 =	vsel vm9, v4, v7;
	v7, _, _ =	vpop (xrf2)  }
0x111: {  	v6 =	vbroadcast v6, $0xF;
	v4 =	vsel vm10, v4, v5;
	v5 =	vbroadcast v7, $0xF;
	_ =	sdelay $0x1  }
0x112: {  	v4 =	vsel vm11, v4, v6;
	v6 =	vbroadcast v14, $0xF  }
0x113: {  	v4 =	vsel vm12, v4, v5  }
0x114: {  	v4 =	vsel vm13, v4, v6;
	v5, _, _ =	vpop (xrf2)  }
0x115: {  	p0 =	seq.s32 s14, $0x18;
	v4 =	vsel vm14, v4, v5  }
0x116: {  	s1 =	sshll.u32 @!p0 s14, $0xA;
	v4 =	vsub.f32 $0.0e+00, v4  }
0x117: {  	s1 =	sand.u32 @!p0 $0x3FFFFC00, s1;
	s19 =	sshra.s32 s16, $0x2  }
0x118: {  	s13 =	simm.s32 @!p0 $0x80;
	s11 =	sadd.s32 @!p0 $0x4400, s1;
	s15 =	simm.s32 @!p0 $0xA400;
	[tilespmem:v3+s19+$0x0 ss:$0x1] =	vst.idx.msk $0xffff, v4  }
0x119: {  	[tilespmem:s15], [sflag:$0x2] =	stream.indirect.gather @!p0 [hbm4b:s2+s13], $0x20, s11, s13, $0xb8;
	[tilespmem:$0x18800] =	vst v63  }
0x11a: {  	s11 =	sadd.s32 @!p0 $0x4480, s1;
	s15 =	simm.s32 @!p0 $0xB400  }
0x11b: {  	v3 =	vor.u32 s12, v0;
	[tilespmem:s15], [sflag:$0x2] =	stream.indirect.gather @!p0 [hbm4b:s2+s13], $0x20, s11, s13, $0xb8;
	[tilespmem:$0x18800] =	vst v63  }
0x11c: {  	v3 =	vmulhi.u32 $0x51EB851F, v3;
	s11 =	sadd.s32 @!p0 $0x4500, s1;
	s15 =	simm.s32 @!p0 $0xC400  }
0x11d: {  	[tilespmem:s15], [sflag:$0x2] =	stream.indirect.gather @!p0 [hbm4b:s2+s13], $0x20, s11, s13, $0xb8;
	[tilespmem:$0x18800] =	vst v63  }
0x11e: {  	s1 =	sadd.s32 @!p0 $0x4580, s1;
	v3 =	vshrl.u32 v3, $0x4;
	s11 =	simm.s32 @!p0 $0xD400  }
0x11f: {  	v3 =	vshll.u32 v3, $0x7;
	[tilespmem:s11], [sflag:$0x2] =	stream.indirect.gather @!p0 [hbm4b:s2+s13], $0x20, s1, s13, $0xb8;
	[tilespmem:$0x18800] =	vst v63  }
0x120: {  	v6 =	vshra.s32 v3, $0x2;
	_ =	swait.ge [sflag:s28], $0x4000  }
0x121: {  	(v2sf) =	vpush v6, $0xE  }
0x122: {  	(v2sf) =	vpush v6, $0xD  }
0x123: {  	(v2sf) =	vpush v6, $0xC;
	_ =	sdelay $0x4  }
0x124: {  	[sflag:s28] =	ssyncset.done $0x0  }
0x125: {  	s18 =	simm.s32 $0xE500;
	[sflag:s28] =	ssyncadd.s32 $0xFFFFC000;
	(v2sf) =	vpush v6, $0xB  }
0x126: {  	v20 =	vld [tilespmem:s18+$0xC0]  }
0x127: {  	v22 =	vld [tilespmem:s18+$0xD0];
	(v2sf) =	vpush v6, $0xA  }
0x128: {  	v25 =	vld [tilespmem:s18+$0x80];
	(v2sf) =	vpush v6, $0x9  }
0x129: {  	v27 =	vld [tilespmem:s18+$0x90]  }
0x12a: {  	v9 =	vld [tilespmem:s18+$0x60]  }
0x12b: {  	v16 =	vld [tilespmem:s18+$0x70];
	(v2sf) =	vpush v6, $0x8  }
0x12c: {  	v13 =	vld [tilespmem:s18+$0x20];
	s20 =	spop (v2sf)  }
0x12d: {  	v18 =	vld [tilespmem:s18+$0x30];
	s19 =	spop (v2sf);
	(v2sf) =	vpush v6, $0x7  }
0x12e: {  	v14 =	vld [tilespmem:s18+$0x0];
	s11 =	spop (v2sf);
	(v2sf) =	vpush v6, $0x6  }
0x12f: {  	v19 =	vld [tilespmem:s18+$0x10]  }
0x130: {  	v3 =	vld [tilespmem:s20+$0x0]  }
0x131: {  	v21 =	vld [tilespmem:s20+$0x10]  }
0x132: {  	v4 =	vld [tilespmem:s19+$0x0]  }
0x133: {  	v24 =	vld [tilespmem:s11+$0x0]  }
0x134: {  	v26 =	vld [tilespmem:s11+$0x10];
	s13 =	spop (v2sf)  }
0x135: {  	v8 =	vld [tilespmem:s13+$0x0]  }
0x136: {  	v12 =	vld [tilespmem:s13+$0x10];
	s29 =	spop (v2sf)  }
0x137: {  	v5 =	vld [tilespmem:s29+$0x0];
	s15 =	spop (v2sf)  }
0x138: {  	v10 =	vld [tilespmem:s15+$0x0]  }
0x139: {  	v17 =	vld [tilespmem:s15+$0x10]  }
0x13a: {  	s16 =	spop (v2sf);
	v22 =	vmul.f32 v22, v21;
	v21 =	vld [tilespmem:s18+$0xFFFFFFC0]  }
0x13b: {  	(v2sf) =	vpush v6, $0x5;
	v11 =	vld [tilespmem:s16+$0x0]  }
0x13c: {  	v23 =	vmul.f32 v20, v3;
	v15 =	vld [tilespmem:s16+$0x10];
	s11 =	spop (v2sf);
	(v2sf) =	vpush v6, $0x4  }
0x13d: {  	v7 =	vld [tilespmem:s11+$0x0];
	s20 =	spop (v2sf);
	(v2sf) =	vpush v6, $0x3  }
0x13e: {  	v3 =	vmov s0;
	v23 =	vadd.f32 v22, v23;
	v20 =	vld [tilespmem:s20+$0x0];
	(v2sf) =	vpush v6, $0x2  }
0x13f: {  	s1 =	simm.s32 $0x40;
	s16 =	simm.s32 $0x0;
	v24 =	vmul.f32 v25, v24;
	v25 =	vmul.f32 v27, v26;
	v22 =	vld [tilespmem:s20+$0x10];
	s20 =	smov.u32 s12;
	(v2sf) =	vpush v6, $0x0  }
.LBB2_7:
0x140: {  	_ =	sdelay $0x4  }
0x141: {  	v26 =	vld [tilespmem:s18+$0xFFFFFFD0];
	v8 =	vmul.f32 v9, v8;
	v9 =	vmul.f32 v16, v12  }
0x142: {  	v24 =	vadd.f32 v25, v24;
	v25 =	vld [tilespmem:s18+$0xFFFFFFA0]  }
0x143: {  	v16 =	vld [tilespmem:s18+$0xFFFFFFB0];
	v8 =	vadd.f32 v9, v8;
	v9 =	vmul.f32 v13, v10;
	v10 =	vmul.f32 v18, v17  }
0x144: {  	(xrf2) =	vadd.scan.msk.f32 $0xffff, v23;
	v17 =	vld [tilespmem:s18+$0xFFFFFF60]  }
0x145: {  	(xrf2) =	vadd.scan.msk.f32 $0xffff, v24;
	v27 =	vadd.f32 v10, v9;
	v9 =	vmul.f32 v14, v11;
	v10 =	vmul.f32 v19, v15;
	v11 =	vld [tilespmem:s18+$0xFFFFFF70]  }
0x146: {  	(xrf2) =	vadd.scan.msk.f32 $0xffff, v8;
	v15 =	vld [tilespmem:s18+$0xFFFFFF40];
	s13 =	spop (v2sf);
	(v2sf) =	vpush v6, $0x1  }
0x147: {  	(xrf2) =	vadd.scan.msk.f32 $0xffff, v27;
	v27 =	vadd.f32 v10, v9;
	v10 =	vmul.f32 v21, v20;
	v21 =	vld [tilespmem:s18+$0xFFFFFF50]  }
0x148: {  	v23 =	vld [tilespmem:s13+$0x0]  }
0x149: {  	v19 =	vmul.f32 v26, v22;
	v12 =	vld [tilespmem:s13+$0x10];
	s13 =	spop (v2sf)  }
0x14a: {  	v24 =	vld [tilespmem:s13+$0x0]  }
0x14b: {  	s15 =	spop (v2sf);
	v26 =	vadd.f32 v19, v10;
	v19 =	vld [tilespmem:s18+$0xFFFFFF00]  }
0x14c: {  	v13 =	vld [tilespmem:s15+$0x0]  }
0x14d: {  	v18 =	vld [tilespmem:s15+$0x10];
	s15 =	spop (v2sf)  }
0x14e: {  	v14 =	vld [tilespmem:s15+$0x0]  }
0x14f: {  	v20 =	vld [tilespmem:s15+$0x10];
	s15 =	spop (v2sf)  }
0x150: {  	v8, _, _ =	vpop (xrf2);
	(xrf2) =	vadd.scan.msk.f32 $0xffff, v27;
	v22 =	vmul.f32 v25, v23;
	v12 =	vmul.f32 v16, v12;
	v16 =	vld [tilespmem:s15+$0x0]  }
0x151: {  	v23 =	vld [tilespmem:s15+$0x10]  }
0x152: {  	v25 =	vadd.f32 v12, v22;
	v22 =	vld [tilespmem:s18+$0xFFFFFF10]  }
0x153: {  	v9, _, _ =	vpop (xrf2);
	(xrf2) =	vadd.scan.msk.f32 $0xffff, v26;
	v11 =	vmul.f32 v11, v18;
	v18 =	vld [tilespmem:s18+$0xFFFFFF30]  }
0x154: {  	v13 =	vmul.f32 v17, v13;
	v20 =	vmul.f32 v21, v20;
	v21 =	vld [tilespmem:s18+$0xFFFFFF90]  }
0x155: {  	s15 =	spop (v2sf);
	(v2sf) =	vpush v6, $0xF;
	v6 =	vld [tilespmem:s18+$0xFFFFFF20]  }
0x156: {  	v10, _, _ =	vpop (xrf2);
	v14 =	vmul.f32 v15, v14;
	(xrf2) =	vadd.scan.msk.f32 $0xffff, v25;
	v11 =	vadd.f32 v11, v13;
	v17 =	vld [tilespmem:s15+$0x0]  }
0x157: {  	v13 =	vld [tilespmem:s15+$0x10]  }
0x158: {  	v12, _, _ =	vpop (xrf2);
	v16 =	vmul.f32 v19, v16;
	(xrf2) =	vadd.scan.msk.f32 $0xffff, v11;
	v11 =	vadd.f32 v20, v14;
	v14 =	vld [tilespmem:s18+$0xFFFFFF80];
	v22 =	vmul.f32 v22, v23  }
0x159: {  	v20 =	vld [tilespmem:s13+$0x10]  }
0x15a: {  	v15, _, _ =	vpop (xrf2);
	(xrf2) =	vadd.scan.msk.f32 $0xffff, v11;
	v11 =	vadd.f32 v22, v16;
	v16 =	vld [tilespmem:s18+$0xFFFFFFE0]  }
0x15b: {  	v6 =	vmul.f32 v6, v17;
	v17 =	vld [tilespmem:s11+$0x10]  }
0x15c: {  	v22 =	vmul.f32 v18, v13;
	v18 =	vld [tilespmem:s18+$0xFFFFFFF0]  }
0x15d: {  	v19, _, _ =	vpop (xrf2);
	(xrf2) =	vadd.scan.msk.f32 $0xffff, v11;
	v11 =	vld [tilespmem:s18+$0x40]  }
0x15e: {  	v14 =	vmul.f32 v14, v24;
	v23 =	vmul.f32 v21, v20;
	v21 =	vld [tilespmem:s29+$0x10];
	v6 =	vadd.f32 v22, v6  }
0x15f: {  	v22 =	vld [tilespmem:s18+$0x50]  }
0x160: {  	v13, _, _ =	vpop (xrf2);
	(xrf2) =	vadd.scan.msk.f32 $0xffff, v6;
	v6 =	vadd.f32 v23, v14;
	v14 =	vld [tilespmem:s18+$0xA0]  }
0x161: {  	v23 =	vmul.f32 v18, v17;
	v17 =	vld [tilespmem:s19+$0x10]  }
0x162: {  	v18 =	vld [tilespmem:s18+$0xB0]  }
0x163: {  	v7 =	vmul.f32 v16, v7;
	_ =	sdelay $0x1  }
0x164: {  	v20, _, _ =	vpop (xrf2);
	(xrf2) =	vadd.scan.msk.f32 $0xffff, v6;
	v6 =	vadd.f32 v23, v7;
	v23 =	vmul.f32 v22, v21;
	v21 =	vld [tilespmem:s18+$0xE0];
	s13 =	spop (v2sf)  }
0x165: {  	v5 =	vmul.f32 v11, v5;
	v7 =	vld [tilespmem:s13+$0x0]  }
0x166: {  	v4 =	vmul.f32 v14, v4;
	v14 =	vmul.f32 v18, v17  }
0x167: {  	v5 =	vadd.f32 v23, v5  }
0x168: {  	v16, _, _ =	vpop (xrf2);
	(xrf2) =	vadd.scan.msk.f32 $0xffff, v6;
	v6 =	vld [tilespmem:s18+$0xF0];
	v4 =	vadd.f32 v14, v4  }
0x169: {  	v11, _, _ =	vpop (xrf2);
	v22 =	vld [tilespmem:s13+$0x10];
	(xrf2) =	vadd.scan.msk.f32 $0xffff, v5  }
0x16a: {  	s20 =	sadd.s32 $0x10, s20;
	v5 =	vmul.f32 v21, v7;
	v7, _, _ =	vpop (xrf2);
	(xrf2) =	vadd.scan.msk.f32 $0xffff, v4;
	v4 =	vld [tilespmem:$0x1FFE0]  }
0x16b: {  	v23 =	vor.u32 s20, v0  }
0x16c: {  	v17 =	vmulhi.u32 $0x51EB851F, v23  }
0x16d: {  	v16 =	vbroadcast v16, $0xF  }
0x16e: {  	v18 =	vbroadcast v11, $0xF;
	v14 =	vshrl.u32 v17, $0x4;
	v7 =	vbroadcast v7, $0xF  }
0x16f: {  	v14 =	vshll.u32 v14, $0x7;
	v17 =	vmul.f32 v6, v22;
	vm0 =	vnez.u8 v4  }
0x170: {  	v6 =	vshra.s32 v14, $0x2;
	v11, _, _ =	vpop (xrf2);
	v4 =	vsel vm0, v18, v7;
	v7 =	vbroadcast v20, $0xF  }
0x171: {  	v11 =	vbroadcast v11, $0xF;
	v5 =	vadd.f32 v17, v5;
	v4 =	vsel vm1, v4, v16  }
0x172: {  	(v2sf) =	vpush v6, $0xE;
	v4 =	vsel vm2, v4, v7;
	v7 =	vbroadcast v13, $0xF  }
0x173: {  	v14 =	vbroadcast v19, $0xF;
	v13, _, _ =	vpop (xrf2);
	(xrf2) =	vadd.scan.msk.f32 $0xffff, v5;
	v4 =	vsel vm3, v4, v11  }
0x174: {  	v5 =	vbroadcast v13, $0xF;
	v4 =	vsel vm4, v4, v7  }
0x175: {  	v7 =	vbroadcast v15, $0xF;
	v4 =	vsel vm5, v4, v14  }
0x176: {  	v11, _, _ =	vpop (xrf2);
	v4 =	vsel vm6, v4, v5;
	v5 =	vbroadcast v12, $0xF  }
0x177: {  	v4 =	vsel vm7, v4, v7;
	v7 =	vbroadcast v11, $0xF  }
0x178: {  	v4 =	vsel vm8, v4, v5;
	v5 =	vbroadcast v10, $0xF  }
0x179: {  	(v2sf) =	vpush v6, $0xD;
	v4 =	vsel vm9, v4, v7;
	v7 =	vbroadcast v9, $0xF;
	v9, _, _ =	vpop (xrf2)  }
0x17a: {  	(v2sf) =	vpush v6, $0xC;
	v4 =	vsel vm10, v4, v5;
	v9 =	vbroadcast v9, $0xF  }
0x17b: {  	v4 =	vsel vm11, v4, v7;
	v7 =	vbroadcast v8, $0xF  }
0x17c: {  	v4 =	vsel vm12, v4, v9  }
0x17d: {  	v5, _, _ =	vpop (xrf2);
	v4 =	vsel vm13, v4, v7  }
0x17e: {  	v4 =	vsel vm14, v4, v5  }
0x17f: {  	v4 =	vsub.f32 $0.0e+00, v4  }
0x180: {  	s15 =	sshra.s32 s16, $0x2  }
0x181: {  	(v2sf) =	vpush v6, $0xB;
	s19 =	spop (v2sf);
	[tilespmem:v3+s15+$0x0 ss:$0x1] =	vst.idx.msk $0xffff, v4  }
0x182: {  	s18 =	sadd.s32 $0x200, s18;
	v20 =	vld [tilespmem:s19+$0x0]  }
0x183: {  	(v2sf) =	vpush v6, $0xA;
	v21 =	vld [tilespmem:s18+$0xC0]  }
0x184: {  	(v2sf) =	vpush v6, $0x9;
	v22 =	vld [tilespmem:s19+$0x10]  }
0x185: {  	v23 =	vld [tilespmem:s18+$0xD0]  }
0x186: {  	v25 =	vld [tilespmem:s18+$0x80]  }
0x187: {  	(v2sf) =	vpush v6, $0x8;
	v27 =	vld [tilespmem:s18+$0x90]  }
0x188: {  	s19 =	spop (v2sf);
	v9 =	vld [tilespmem:s18+$0x60]  }
0x189: {  	v16 =	vld [tilespmem:s18+$0x70];
	s15 =	spop (v2sf);
	(v2sf) =	vpush v6, $0x7  }
0x18a: {  	v13 =	vld [tilespmem:s18+$0x20];
	(v2sf) =	vpush v6, $0x6  }
0x18b: {  	v18 =	vld [tilespmem:s18+$0x30]  }
0x18c: {  	v14 =	vld [tilespmem:s18+$0x0]  }
0x18d: {  	v19 =	vld [tilespmem:s18+$0x10]  }
0x18e: {  	v4 =	vld [tilespmem:s19+$0x0]  }
0x18f: {  	v24 =	vld [tilespmem:s15+$0x0]  }
0x190: {  	v26 =	vld [tilespmem:s15+$0x10];
	s13 =	spop (v2sf)  }
0x191: {  	v8 =	vld [tilespmem:s13+$0x0]  }
0x192: {  	v12 =	vld [tilespmem:s13+$0x10];
	s29 =	spop (v2sf)  }
0x193: {  	v5 =	vld [tilespmem:s29+$0x0];
	s15 =	spop (v2sf)  }
0x194: {  	v10 =	vld [tilespmem:s15+$0x0]  }
0x195: {  	v17 =	vld [tilespmem:s15+$0x10]  }
0x196: {  	p0 =	sne.s32 s1, $0x7C0;
	v28 =	vmul.f32 v21, v20;
	v21 =	vld [tilespmem:s18+$0xFFFFFFC0];
	s13 =	spop (v2sf)  }
.Ltmp2:
0x197: {  	(v2sf) =	vpush v6, $0x5;
	v11 =	vld [tilespmem:s13+$0x0];
	(pc) =	sbr.rel @p0 .LBB2_7-.Ltmp2, $4  }
0x198: {  	(v2sf) =	vpush v6, $0x4;
	v22 =	vmul.f32 v23, v22;
	v15 =	vld [tilespmem:s13+$0x10];
	s11 =	spop (v2sf)  }
0x199: {  	(v2sf) =	vpush v6, $0x3;
	v7 =	vld [tilespmem:s11+$0x0];
	s15 =	spop (v2sf)  }
0x19a: {  	(v2sf) =	vpush v6, $0x2;
	v23 =	vadd.f32 v22, v28;
	v20 =	vld [tilespmem:s15+$0x0]  }
0x19b: {  	s16 =	smov.u32 s1;
	s1 =	sadd.s32 $0x40, s1;
	v24 =	vmul.f32 v25, v24;
	v25 =	vmul.f32 v27, v26;
	(v2sf) =	vpush v6, $0x0;
	v22 =	vld [tilespmem:s15+$0x10]  }
0x19c: {  	_ =	sdelay $0x4  }
0x19d: {  	v26 =	vld [tilespmem:s18+$0xFFFFFFD0]  }
0x19e: {  	v28 =	vld [tilespmem:s18+$0xFFFFFFA0]  }
0x19f: {  	v30 =	vld [tilespmem:s18+$0xFFFFFFB0]  }
0x1a0: {  	v33 =	vld [tilespmem:s18+$0xFFFFFF60]  }
0x1a1: {  	v35 =	vld [tilespmem:s18+$0xFFFFFF70]  }
0x1a2: {  	v37 =	vld [tilespmem:s18+$0xFFFFFF40];
	s1 =	spop (v2sf);
	(v2sf) =	vpush v6, $0x1  }
0x1a3: {  	v39 =	vld [tilespmem:s18+$0xFFFFFF50]  }
0x1a4: {  	v40 =	vld [tilespmem:s18+$0xFFFFFF00]  }
0x1a5: {  	v43 =	vld [tilespmem:s18+$0xFFFFFF10]  }
0x1a6: {  	v60 =	vld [tilespmem:s18+$0xFFFFFF20]  }
0x1a7: {  	v46 =	vld [tilespmem:s18+$0xFFFFFF80]  }
0x1a8: {  	v54 =	vld [tilespmem:s18+$0xFFFFFF90]  }
0x1a9: {  	v27 =	vld [tilespmem:s1+$0x0]  }
0x1aa: {  	v29 =	vld [tilespmem:s1+$0x10];
	s1 =	spop (v2sf)  }
0x1ab: {  	v58 =	vadd.f32 v25, v24;
	v25 =	vld [tilespmem:s18+$0xFFFFFF30];
	s13 =	spop (v2sf)  }
0x1ac: {  	v32 =	vld [tilespmem:s13+$0x0]  }
0x1ad: {  	v34 =	vld [tilespmem:s13+$0x10];
	s15 =	spop (v2sf)  }
0x1ae: {  	v36 =	vld [tilespmem:s15+$0x0]  }
0x1af: {  	v38 =	vld [tilespmem:s15+$0x10];
	s20 =	spop (v2sf)  }
0x1b0: {  	v8 =	vmul.f32 v9, v8;
	v57 =	vmul.f32 v16, v12;
	v41 =	vld [tilespmem:s20+$0x0]  }
0x1b1: {  	v10 =	vmul.f32 v13, v10;
	v59 =	vmul.f32 v18, v17;
	(v2sf) =	vpush v6, $0xF;
	v42 =	vld [tilespmem:s20+$0x10];
	s15 =	spop (v2sf)  }
0x1b2: {  	(xrf2) =	vadd.scan.msk.f32 $0xffff, v23;
	v61 =	vmul.f32 v14, v11;
	v62 =	vmul.f32 v19, v15;
	v8 =	vadd.f32 v57, v8;
	v6 =	vld [tilespmem:s15+$0x0]  }
0x1b3: {  	v10 =	vadd.f32 v59, v10;
	(xrf2) =	vadd.scan.msk.f32 $0xffff, v58;
	v23 =	vmul.f32 v21, v20;
	v24 =	vmul.f32 v26, v22;
	v63 =	vld [tilespmem:s15+$0x10]  }
0x1b4: {  	v58 =	vld [tilespmem:s18+$0xFFFFFFE0];
	(xrf2) =	vadd.scan.msk.f32 $0xffff, v8;
	v26 =	vadd.f32 v62, v61;
	v44 =	vmul.f32 v28, v27;
	v45 =	vmul.f32 v30, v29  }
0x1b5: {  	(xrf2) =	vadd.scan.msk.f32 $0xffff, v10;
	v47 =	vadd.f32 v24, v23;
	v31 =	vld [tilespmem:s1+$0x0];
	v48 =	vmul.f32 v33, v32;
	v49 =	vmul.f32 v35, v34  }
0x1b6: {  	(xrf2) =	vadd.scan.msk.f32 $0xffff, v26;
	v50 =	vld [tilespmem:s1+$0x10];
	v51 =	vadd.f32 v45, v44;
	v52 =	vmul.f32 v37, v36;
	v53 =	vmul.f32 v39, v38  }
0x1b7: {  	v21 =	vld [tilespmem:s18+$0x40];
	(xrf2) =	vadd.scan.msk.f32 $0xffff, v47;
	v55 =	vadd.f32 v49, v48;
	v56 =	vmul.f32 v40, v41;
	v57 =	vmul.f32 v43, v42  }
0x1b8: {  	v61 =	vld [tilespmem:s11+$0x10];
	(xrf2) =	vadd.scan.msk.f32 $0xffff, v51;
	v59 =	vadd.f32 v53, v52;
	v6 =	vmul.f32 v60, v6;
	v60 =	vmul.f32 v25, v63  }
0x1b9: {  	(xrf2) =	vadd.scan.msk.f32 $0xffff, v55;
	v62 =	vadd.f32 v57, v56;
	v63 =	vld [tilespmem:s18+$0xFFFFFFF0]  }
0x1ba: {  	v24 =	vld [tilespmem:s29+$0x10];
	(xrf2) =	vadd.scan.msk.f32 $0xffff, v59;
	v6 =	vadd.f32 v60, v6  }
0x1bb: {  	v26 =	vld [tilespmem:s18+$0x50];
	v22 =	vmul.f32 v46, v31;
	v23 =	vmul.f32 v54, v50;
	(xrf2) =	vadd.scan.msk.f32 $0xffff, v62  }
0x1bc: {  	v28 =	vld [tilespmem:s18+$0xA0];
	v25, _, _ =	vpop (xrf2);
	(xrf2) =	vadd.scan.msk.f32 $0xffff, v6  }
0x1bd: {  	v30 =	vld [tilespmem:s19+$0x10];
	v9 =	vadd.f32 v23, v22;
	v27, _, _ =	vpop (xrf2)  }
0x1be: {  	v7 =	vmul.f32 v58, v7;
	v32 =	vld [tilespmem:s18+$0xB0];
	v29, _, _ =	vpop (xrf2);
	v11 =	vmul.f32 v63, v61  }
0x1bf: {  	v37 =	vld [tilespmem:s18+$0xE0];
	v31, _, _ =	vpop (xrf2);
	(xrf2) =	vadd.scan.msk.f32 $0xffff, v9  }
0x1c0: {  	v41 =	vld [tilespmem:s18+$0xF0];
	s20 =	spop (v2sf);
	v33, _, _ =	vpop (xrf2);
	v7 =	vadd.f32 v11, v7  }
0x1c1: {  	v5 =	vmul.f32 v21, v5;
	v36 =	vmul.f32 v26, v24;
	v34 =	vld [tilespmem:s20+$0x0];
	v35, _, _ =	vpop (xrf2)  }
0x1c2: {  	v49 =	vld [tilespmem:$0x1FFE0];
	v38, _, _ =	vpop (xrf2);
	(xrf2) =	vadd.scan.msk.f32 $0xffff, v7  }
0x1c3: {  	v5 =	vadd.f32 v36, v5;
	v39 =	vld [tilespmem:s20+$0x10];
	v40, _, _ =	vpop (xrf2)  }
0x1c4: {  	v4 =	vmul.f32 v28, v4;
	v43 =	vmul.f32 v32, v30;
	v42, _, _ =	vpop (xrf2)  }
0x1c5: {  	v44, _, _ =	vpop (xrf2);
	(xrf2) =	vadd.scan.msk.f32 $0xffff, v5  }
0x1c6: {  	v4 =	vadd.f32 v43, v4;
	v45 =	vmul.f32 v37, v34;
	v46, _, _ =	vpop (xrf2)  }
0x1c7: {  	v47 =	vbroadcast v44, $0xF;
	v10 =	vbroadcast v46, $0xF  }
0x1c8: {  	vm0 =	vnez.u8 v49;
	v8 =	vmul.f32 v41, v39;
	v48 =	vbroadcast v42, $0xF;
	(xrf2) =	vadd.scan.msk.f32 $0xffff, v4  }
0x1c9: {  	v7 =	vbroadcast v40, $0xF;
	v50, _, _ =	vpop (xrf2);
	v4 =	vsel vm0, v47, v10  }
0x1ca: {  	v5 =	vadd.f32 v8, v45;
	v10 =	vbroadcast v50, $0xF;
	v4 =	vsel vm1, v4, v48  }
0x1cb: {  	v51 =	vbroadcast v38, $0xF;
	v4 =	vsel vm2, v4, v7  }
0x1cc: {  	v52 =	vbroadcast v35, $0xF;
	(xrf2) =	vadd.scan.msk.f32 $0xffff, v5;
	v53, _, _ =	vpop (xrf2);
	v4 =	vsel vm3, v4, v10  }
0x1cd: {  	v54 =	vbroadcast v53, $0xF;
	v4 =	vsel vm4, v4, v51  }
0x1ce: {  	v55 =	vbroadcast v33, $0xF;
	v4 =	vsel vm5, v4, v52  }
0x1cf: {  	v56 =	vbroadcast v31, $0xF;
	v57, _, _ =	vpop (xrf2);
	v4 =	vsel vm6, v4, v54  }
0x1d0: {  	v58 =	vbroadcast v57, $0xF;
	v4 =	vsel vm7, v4, v55  }
0x1d1: {  	v59 =	vbroadcast v29, $0xF;
	v4 =	vsel vm8, v4, v56  }
0x1d2: {  	v6 =	vbroadcast v27, $0xF;
	v60, _, _ =	vpop (xrf2);
	v4 =	vsel vm9, v4, v58  }
0x1d3: {  	v61 =	vbroadcast v60, $0xF;
	v4 =	vsel vm10, v4, v59  }
0x1d4: {  	s14 =	sadd.s32 $0x1, s14;
	v62 =	vbroadcast v25, $0xF;
	v4 =	vsel vm11, v4, v6  }
0x1d5: {  	p0 =	sne.s32 s14, $0x19;
	v4 =	vsel vm12, v4, v61  }
.Ltmp3:
0x1d6: {  	v63, _, _ =	vpop (xrf2);
	v4 =	vsel vm13, v4, v62;
	(pc) =	sbr.rel @p0 .LBB2_4-.Ltmp3, $4  }
0x1d7: {  	v4 =	vsel vm14, v4, v63  }
0x1d8: {  	v4 =	vsub.f32 $0.0e+00, v4  }
0x1d9: {  	s31 =	sadd.s32 $0x400, s31;
	s29 =	sshra.s32 s16, $0x2  }
0x1da: {  	s21 =	sadd.s32 $0x400, s21;
	s0 =	sadd.s32 $0x400, s0;
	s12 =	sadd.s32 $0x400, s12;
	[tilespmem:v3+s29+$0x0 ss:$0x1] =	vst.idx.msk $0xffff, v4  }
0x1db: {  	s30 =	sadd.s32 $0x1, s30  }
0x1dc: {  	p0 =	sne.s32 s30, s7  }
.Ltmp4:
0x1dd: {  	s0 =	simm.s32 $0x12400;
	(pc) =	sbr.rel @p0 .LBB2_1-.Ltmp4, $4  }
0x1de: {  	[hbm4b:s6+s3] =	stream.linear.scatter [tilespmem:s0], [sflag:$0x4], $0x6400, $0x38;
	[tilespmem:$0x18800] =	vst v63  }
0x1df: {  	_ =	swait.ge [sflag:s9], $0x6400  }
0x1e0: {  	s1 =	simm.s32 $0x4080;
	[sflag:s9] =	ssyncset.done $0x0  }
0x1e1: {  	s11 =	simm.s32 $0x4100;
	s12 =	simm.s32 $0x4180;
	[sflag:s9] =	ssyncadd.s32 $0xFFFF9C00  }
0x1e2: {  	_ =	sfence.sel $0x180000  }
0x1e3: {  	[bflag:$0x0] =	sbarrier.arrive $0xFFFF  }
0x1e4: {  	_ =	strace $0x90000047  }
0x1e5: {  	s0 =	stileid.u32;
	[bflag:$0x2] =	sbarrier.arrive $0xFFFF  }
0x1e6: {  	p0 =	sne.s32 s0, $0x0;
	s0 =	rddreg [dreg:$0x3]  }
0x1e7: {  	s0 =	sadd.s32 @!p0 $0x100000, s0  }
0x1e8: {  	[sflag:s0] =	ssyncadd.tile.s32 @!p0 $0x1;
	_ =	shalt  }
.Lfunc_end2:
_tile_overlayer_lowered:
.L_overlay_start_2:
0x1e9: {  	(tag) =	ssettag $0x2  }
0x1ea: {  	s0 =	rddreg [dreg:$0x0];
	s2 =	stileid.u32  }
0x1eb: {  	s1 =	rddreg [dreg:$0x1];
	p0 =	sne.s32 s2, $0x0  }
0x1ec: {  	s3 =	rddreg [dreg:$0x2];
	[bflag:$0x3] =	sbarrier.arrive $0xFFFF;
	s2 =	simm.s32 @!p0 $0x1C04  }
0x1ed: {  	[timem:s3], [sflag:s2] =	dma.local @!p0 [hbm:s0], s1  }
0x1ee: {  	s0 =	simm.s32 @!p0 $0x4  }
0x1ef: {  	_ =	swait.ge @!p0 [sflag:s0], s1  }
0x1f0: {  	s1 =	ssub.s32 @!p0 $0x0, s1;
	[sflag:s0] =	ssyncset.done @!p0 $0x0  }
0x1f1: {  	[sflag:s0] =	ssyncadd.s32 @!p0 s1  }
0x1f2: {  	[bflag:$0x3] =	sbarrier.arrive $0xFFFF  }
0x1f3: {  	_ =	shalt  }

</sc_bundles>
